<compile_context>
chip_gen: v7x
topology: tpu7x:2x2x1
jax: 0.10.2.dev20260603
libtpu: 0.0.44.dev20260713+nightly
codegen_flags: <defaults>
</compile_context>

<pallas_src>
import functools

import jax
import jax.numpy as jnp
from jax import lax
from jax.experimental import pallas as pl
from jax.experimental.pallas import tpu as pltpu
from jax.experimental.pallas import tpu_sc as plsc

EMBED_DIM = 128
SEQ = 50
BATCH = 4096
NUM_WORKERS = 32
BLK = BATCH // NUM_WORKERS
NBUF = 6
MAIN = (SEQ // NBUF) * NBUF


def _sc_embed(idx_t, table):
    mesh = plsc.VectorSubcoreMesh(core_axis_name="c", subcore_axis_name="s")

    @functools.partial(
        pl.kernel,
        mesh=mesh,
        out_type=[
            jax.ShapeDtypeStruct((SEQ, BATCH, EMBED_DIM), jnp.float32),
            jax.ShapeDtypeStruct((SEQ, BATCH), jnp.int32),
        ],
        scratch_types=(
            [pltpu.VMEM((SEQ, BLK), jnp.int32),
             pltpu.VMEM((SEQ, BLK), jnp.int32)]
            + [pltpu.VMEM((BLK, EMBED_DIM), jnp.float32) for _ in range(NBUF)]
            + [pltpu.SemaphoreType.DMA for _ in range(2 * NBUF)]
        ),
    )
    def k(idx_hbm, table_hbm, emb_hbm, mask_hbm, idx_v, mask_v, *bufs_sems):
        rows = bufs_sems[:NBUF]
        gsem = bufs_sems[NBUF:2 * NBUF]
        osem = bufs_sems[2 * NBUF:]
        wid = lax.axis_index("s") * 2 + lax.axis_index("c")
        n0 = wid * BLK

        def gather_start(p, b):
            pltpu.async_copy(table_hbm.at[idx_v.at[p]], rows[b], gsem[b])

        def gather_wait(p, b):
            pltpu.make_async_copy(
                table_hbm.at[idx_v.at[p]], rows[b], gsem[b]
            ).wait()

        def out_start(p, b):
            pltpu.async_copy(rows[b], emb_hbm.at[p, pl.ds(n0, BLK)], osem[b])

        def out_wait(p, b):
            pltpu.make_async_copy(
                rows[b], emb_hbm.at[p, pl.ds(n0, BLK)], osem[b]
            ).wait()

        pltpu.sync_copy(idx_hbm.at[pl.ds(0, SEQ), pl.ds(n0, BLK)], idx_v)
        for b in range(NBUF):
            gather_start(b, b)

        def mask_row(r):
            for c in range(BLK // 16):
                v = idx_v[r, pl.ds(c * 16, 16)]
                mask_v[r, pl.ds(c * 16, 16)] = jnp.minimum(
                    jnp.abs(v), jnp.full((16,), 1, jnp.int32)
                )

        def outer(t, carry):
            for b in range(NBUF):
                p = t * NBUF + b
                mask_row(p)
                gather_wait(p, b)
                out_start(p, b)
                pb = (b - 1) % NBUF
                pp = p + NBUF - 1

                @pl.when((p > 0) & (pp < SEQ))
                def _():
                    out_wait(p - 1, pb)
                    gather_start(pp, pb)

            return carry

        lax.fori_loop(0, SEQ // NBUF, outer, 0)
        for c in range(MAIN, SEQ):
            b = c % NBUF
            mask_row(c)
            gather_wait(c, b)
            out_start(c, b)
            out_wait(c - 1, (b - 1) % NBUF)
        pltpu.sync_copy(mask_v, mask_hbm.at[pl.ds(0, SEQ), pl.ds(n0, BLK)])
        out_wait(SEQ - 1, (SEQ - 1) % NBUF)

    return k(idx_t, table)


def kernel(sen_idx, table):
    idx_t = sen_idx.astype(jnp.int32).T
    emb, mask_i32 = _sc_embed(idx_t, table)
    sen_emb = emb.transpose(1, 0, 2)
    mask = (mask_i32 != 0).T
    return (sen_emb, mask)

# --- scband reference (transcript-rebuilt; emitter-appended) ---
"""Pipeline reference for scband-embedding-pre-layer-57552561766579 (READ-ONLY COPY).

The authoritative reference and input builder live on the scoring server;
editing this copy changes nothing except your own understanding.
"""

import jax, jax.numpy as jnp
import numpy as np

NUM_VOCAB = 100000
EMBED_DIM = 128
PADDING_IDX = 0


def setup_inputs(seed: int = 0) -> dict:
    key = jax.random.key(seed)
    k1, k2 = jax.random.split(key)
    sen_idx = jax.random.randint(k1, (4096, 50), 0, NUM_VOCAB, dtype=jnp.int64 if jax.config.jax_enable_x64 else jnp.int32)
    table = jax.random.normal(k2, (NUM_VOCAB, EMBED_DIM), dtype=jnp.float32) * 0.02
    return {"sen_idx": sen_idx, "table": table}


def reference(sen_idx, table):
    # mask = (sen_idx != padding_idx)
    mask = jnp.not_equal(sen_idx, PADDING_IDX)
    # embedding lookup (nn.Embedding with provided _weight does a plain gather)
    sen_emb = jnp.take(table, sen_idx, axis=0)
    return (sen_emb, mask)

if __name__ == "__main__":
    import jax
    _d = setup_inputs()
    print(jax.jit(kernel)(*tuple(_d.values())))

</pallas_src>

<mosaic_0001>
#map = affine_map<(d0, d1) -> (0, 0)>
#map1 = affine_map<(d0, d1) -> (0, 0, 0)>
module attributes {stable_mosaic.version = 14 : i64} {
  func.func @k(%arg0: i32, %arg1: i32, %arg2: memref<50x4096xi32, #tpu.memory_space<hbm>>, %arg3: memref<100000x128xf32, #tpu.memory_space<hbm>>, %arg4: memref<50x4096x128xf32, #tpu.memory_space<hbm>>, %arg5: memref<50x4096xi32, #tpu.memory_space<hbm>>, %arg6: memref<50x128xi32, #tpu.memory_space<vmem>>, %arg7: memref<50x128xi32, #tpu.memory_space<vmem>>, %arg8: memref<128x128xf32, #tpu.memory_space<vmem>>, %arg9: memref<128x128xf32, #tpu.memory_space<vmem>>, %arg10: memref<128x128xf32, #tpu.memory_space<vmem>>, %arg11: memref<128x128xf32, #tpu.memory_space<vmem>>, %arg12: memref<128x128xf32, #tpu.memory_space<vmem>>, %arg13: memref<128x128xf32, #tpu.memory_space<vmem>>, %arg14: memref<!tpu.dma_semaphore, #tpu.memory_space<semaphore_mem>>, %arg15: memref<!tpu.dma_semaphore, #tpu.memory_space<semaphore_mem>>, %arg16: memref<!tpu.dma_semaphore, #tpu.memory_space<semaphore_mem>>, %arg17: memref<!tpu.dma_semaphore, #tpu.memory_space<semaphore_mem>>, %arg18: memref<!tpu.dma_semaphore, #tpu.memory_space<semaphore_mem>>, %arg19: memref<!tpu.dma_semaphore, #tpu.memory_space<semaphore_mem>>, %arg20: memref<!tpu.dma_semaphore, #tpu.memory_space<semaphore_mem>>, %arg21: memref<!tpu.dma_semaphore, #tpu.memory_space<semaphore_mem>>, %arg22: memref<!tpu.dma_semaphore, #tpu.memory_space<semaphore_mem>>, %arg23: memref<!tpu.dma_semaphore, #tpu.memory_space<semaphore_mem>>, %arg24: memref<!tpu.dma_semaphore, #tpu.memory_space<semaphore_mem>>, %arg25: memref<!tpu.dma_semaphore, #tpu.memory_space<semaphore_mem>>) attributes {dimension_semantics = [#tpu.dimension_semantics<core_parallel>, #tpu.dimension_semantics<subcore_parallel>], iteration_bounds = array<i64: 2, 16>, scalar_prefetch = 0 : i64, scratch_operands = 20 : i64, tpu.core_type = #tpu.core_type<sc_vector_subcore>, window_params = [{transform_indices = #map}, {transform_indices = #map}, {transform_indices = #map1}, {transform_indices = #map}]} {
    %mul3A = arith.constant 2 : i32
    %mul3A_0 = arith.muli %arg1, %mul3A : i32
    %add3A = arith.addi %mul3A_0, %arg0 : i32
    %mul3A_1 = arith.constant 128 : i32
    %mul3A_2 = arith.muli %add3A, %mul3A_1 : i32
    "tpu.region"() ({
      %run_scoped3A = tpu.sem_alloc : memref<!tpu.dma_semaphore, #tpu.memory_space<semaphore_mem>>
      %dma_start3A_332 = arith.constant 0 : i32
      %dma_start3A_333 = tpu.memref_slice %arg2[%dma_start3A_332, %mul3A_2] : memref<50x4096xi32, #tpu.memory_space<hbm>> -> memref<50x128xi32, #tpu.memory_space<hbm>>
      %dma_start3A_334 = arith.constant 0 : i32
      %dma_start3A_335 = tpu.memref_slice %arg2[%dma_start3A_334, %mul3A_2] : memref<50x4096xi32, #tpu.memory_space<hbm>> -> memref<50x128xi32, #tpu.memory_space<hbm>>
      tpu.enqueue_dma source(%dma_start3A_335 : memref<50x128xi32, #tpu.memory_space<hbm>>) target(%arg6 : memref<50x128xi32, #tpu.memory_space<vmem>>) target_semaphore(%run_scoped3A : memref<!tpu.dma_semaphore, #tpu.memory_space<semaphore_mem>>)
      %dma_wait3A_336 = arith.constant 0 : i32
      %dma_wait3A_337 = tpu.memref_slice %arg2[%dma_wait3A_336, %mul3A_2] : memref<50x4096xi32, #tpu.memory_space<hbm>> -> memref<50x128xi32, #tpu.memory_space<hbm>>
      %dma_wait3A_338 = arith.constant 0 : i32
      %dma_wait3A_339 = tpu.memref_slice %arg2[%dma_wait3A_338, %mul3A_2] : memref<50x4096xi32, #tpu.memory_space<hbm>> -> memref<50x128xi32, #tpu.memory_space<hbm>>
      tpu.wait_dma2 semaphore(%run_scoped3A : memref<!tpu.dma_semaphore, #tpu.memory_space<semaphore_mem>>) src(%dma_wait3A_339 : memref<50x128xi32, #tpu.memory_space<hbm>>) dst(%arg6 : memref<50x128xi32, #tpu.memory_space<vmem>>)
      tpu.yield
    }) : () -> ()
    %dma_start3A = arith.constant 0 : i32
    %dma_start3A_3 = arith.constant 0 : i32
    %dma_start3A_4 = tpu.memref_slice %arg6[%dma_start3A, %dma_start3A_3] : memref<50x128xi32, #tpu.memory_space<vmem>> -> memref<1x128xi32, #tpu.memory_space<vmem>>
    %dma_start3A_5 = tpu.memref_squeeze %dma_start3A_4 : memref<1x128xi32, #tpu.memory_space<vmem>> -> memref<128xi32, #tpu.memory_space<vmem>>
    %dma_start3A_6 = arith.constant 0 : i32
    %dma_start3A_7 = arith.constant 0 : i32
    %dma_start3A_8 = tpu.memref_slice %arg3[%dma_start3A_6, %dma_start3A_7] : memref<100000x128xf32, #tpu.memory_space<hbm>> -> memref<100000x128xf32, #tpu.memory_space<hbm>>
    tpu.enqueue_indirect_dma source(%dma_start3A_8 : memref<100000x128xf32, #tpu.memory_space<hbm>>) target(%arg8 : memref<128x128xf32, #tpu.memory_space<vmem>>) offsets(%dma_start3A_5 : memref<128xi32, #tpu.memory_space<vmem>>) semaphore(%arg14 : memref<!tpu.dma_semaphore, #tpu.memory_space<semaphore_mem>>)
    %dma_start3A_9 = arith.constant 1 : i32
    %dma_start3A_10 = arith.constant 0 : i32
    %dma_start3A_11 = tpu.memref_slice %arg6[%dma_start3A_9, %dma_start3A_10] : memref<50x128xi32, #tpu.memory_space<vmem>> -> memref<1x128xi32, #tpu.memory_space<vmem>>
    %dma_start3A_12 = tpu.memref_squeeze %dma_start3A_11 : memref<1x128xi32, #tpu.memory_space<vmem>> -> memref<128xi32, #tpu.memory_space<vmem>>
    %dma_start3A_13 = arith.constant 0 : i32
    %dma_start3A_14 = arith.constant 0 : i32
    %dma_start3A_15 = tpu.memref_slice %arg3[%dma_start3A_13, %dma_start3A_14] : memref<100000x128xf32, #tpu.memory_space<hbm>> -> memref<100000x128xf32, #tpu.memory_space<hbm>>
    tpu.enqueue_indirect_dma source(%dma_start3A_15 : memref<100000x128xf32, #tpu.memory_space<hbm>>) target(%arg9 : memref<128x128xf32, #tpu.memory_space<vmem>>) offsets(%dma_start3A_12 : memref<128xi32, #tpu.memory_space<vmem>>) semaphore(%arg15 : memref<!tpu.dma_semaphore, #tpu.memory_space<semaphore_mem>>)
    %dma_start3A_16 = arith.constant 2 : i32
    %dma_start3A_17 = arith.constant 0 : i32
    %dma_start3A_18 = tpu.memref_slice %arg6[%dma_start3A_16, %dma_start3A_17] : memref<50x128xi32, #tpu.memory_space<vmem>> -> memref<1x128xi32, #tpu.memory_space<vmem>>
    %dma_start3A_19 = tpu.memref_squeeze %dma_start3A_18 : memref<1x128xi32, #tpu.memory_space<vmem>> -> memref<128xi32, #tpu.memory_space<vmem>>
    %dma_start3A_20 = arith.constant 0 : i32
    %dma_start3A_21 = arith.constant 0 : i32
    %dma_start3A_22 = tpu.memref_slice %arg3[%dma_start3A_20, %dma_start3A_21] : memref<100000x128xf32, #tpu.memory_space<hbm>> -> memref<100000x128xf32, #tpu.memory_space<hbm>>
    tpu.enqueue_indirect_dma source(%dma_start3A_22 : memref<100000x128xf32, #tpu.memory_space<hbm>>) target(%arg10 : memref<128x128xf32, #tpu.memory_space<vmem>>) offsets(%dma_start3A_19 : memref<128xi32, #tpu.memory_space<vmem>>) semaphore(%arg16 : memref<!tpu.dma_semaphore, #tpu.memory_space<semaphore_mem>>)
    %dma_start3A_23 = arith.constant 3 : i32
    %dma_start3A_24 = arith.constant 0 : i32
    %dma_start3A_25 = tpu.memref_slice %arg6[%dma_start3A_23, %dma_start3A_24] : memref<50x128xi32, #tpu.memory_space<vmem>> -> memref<1x128xi32, #tpu.memory_space<vmem>>
    %dma_start3A_26 = tpu.memref_squeeze %dma_start3A_25 : memref<1x128xi32, #tpu.memory_space<vmem>> -> memref<128xi32, #tpu.memory_space<vmem>>
    %dma_start3A_27 = arith.constant 0 : i32
    %dma_start3A_28 = arith.constant 0 : i32
    %dma_start3A_29 = tpu.memref_slice %arg3[%dma_start3A_27, %dma_start3A_28] : memref<100000x128xf32, #tpu.memory_space<hbm>> -> memref<100000x128xf32, #tpu.memory_space<hbm>>
    tpu.enqueue_indirect_dma source(%dma_start3A_29 : memref<100000x128xf32, #tpu.memory_space<hbm>>) target(%arg11 : memref<128x128xf32, #tpu.memory_space<vmem>>) offsets(%dma_start3A_26 : memref<128xi32, #tpu.memory_space<vmem>>) semaphore(%arg17 : memref<!tpu.dma_semaphore, #tpu.memory_space<semaphore_mem>>)
    %dma_start3A_30 = arith.constant 4 : i32
    %dma_start3A_31 = arith.constant 0 : i32
    %dma_start3A_32 = tpu.memref_slice %arg6[%dma_start3A_30, %dma_start3A_31] : memref<50x128xi32, #tpu.memory_space<vmem>> -> memref<1x128xi32, #tpu.memory_space<vmem>>
    %dma_start3A_33 = tpu.memref_squeeze %dma_start3A_32 : memref<1x128xi32, #tpu.memory_space<vmem>> -> memref<128xi32, #tpu.memory_space<vmem>>
    %dma_start3A_34 = arith.constant 0 : i32
    %dma_start3A_35 = arith.constant 0 : i32
    %dma_start3A_36 = tpu.memref_slice %arg3[%dma_start3A_34, %dma_start3A_35] : memref<100000x128xf32, #tpu.memory_space<hbm>> -> memref<100000x128xf32, #tpu.memory_space<hbm>>
    tpu.enqueue_indirect_dma source(%dma_start3A_36 : memref<100000x128xf32, #tpu.memory_space<hbm>>) target(%arg12 : memref<128x128xf32, #tpu.memory_space<vmem>>) offsets(%dma_start3A_33 : memref<128xi32, #tpu.memory_space<vmem>>) semaphore(%arg18 : memref<!tpu.dma_semaphore, #tpu.memory_space<semaphore_mem>>)
    %dma_start3A_37 = arith.constant 5 : i32
    %dma_start3A_38 = arith.constant 0 : i32
    %dma_start3A_39 = tpu.memref_slice %arg6[%dma_start3A_37, %dma_start3A_38] : memref<50x128xi32, #tpu.memory_space<vmem>> -> memref<1x128xi32, #tpu.memory_space<vmem>>
    %dma_start3A_40 = tpu.memref_squeeze %dma_start3A_39 : memref<1x128xi32, #tpu.memory_space<vmem>> -> memref<128xi32, #tpu.memory_space<vmem>>
    %dma_start3A_41 = arith.constant 0 : i32
    %dma_start3A_42 = arith.constant 0 : i32
    %dma_start3A_43 = tpu.memref_slice %arg3[%dma_start3A_41, %dma_start3A_42] : memref<100000x128xf32, #tpu.memory_space<hbm>> -> memref<100000x128xf32, #tpu.memory_space<hbm>>
    tpu.enqueue_indirect_dma source(%dma_start3A_43 : memref<100000x128xf32, #tpu.memory_space<hbm>>) target(%arg13 : memref<128x128xf32, #tpu.memory_space<vmem>>) offsets(%dma_start3A_40 : memref<128xi32, #tpu.memory_space<vmem>>) semaphore(%arg19 : memref<!tpu.dma_semaphore, #tpu.memory_space<semaphore_mem>>)
    %scan3A = arith.constant 0 : i32
    %scan3A_44 = arith.constant 0 : i32
    %scan3A_45 = arith.constant 8 : i32
    %scan3A_46 = arith.addi %scan3A_44, %scan3A_45 : i32
    %scan3A_47 = arith.constant 1 : i32
    scf.for %scan3A_332 = %scan3A_44 to %scan3A_46 step %scan3A_47  : i32 {
      %mul3A_333 = arith.constant 6 : i32
      %mul3A_334 = arith.muli %scan3A_332, %mul3A_333 : i32
      %add3A_335 = arith.constant 0 : i32
      %add3A_336 = arith.addi %mul3A_334, %add3A_335 : i32
      %get3A_337 = arith.index_cast %add3A_336 : i32 to index
      %get3A_338 = arith.constant 0 : index
      %get3A_339 = tpu.vector_load %arg6[%get3A_337, %get3A_338] {strides = array<i32>} : memref<50x128xi32, #tpu.memory_space<vmem>>, vector<1x16xi32>,
      %get3A_340 = vector.shape_cast %get3A_339 : vector<1x16xi32> to vector<16xi32>
      %abs3A_341 = math.absi %get3A_340 : vector<16xi32>
      %broadcast_in_dim3A_342 = arith.constant 1 : i32
      %broadcast_in_dim3A_343 = vector.broadcast %broadcast_in_dim3A_342 : i32 to vector<16xi32>
      %min3A_344 = arith.minsi %abs3A_341, %broadcast_in_dim3A_343 : vector<16xi32>
      %swap3A_345 = arith.index_cast %add3A_336 : i32 to index
      %swap3A_346 = arith.constant 0 : index
      %swap3A_347 = tpu.vector_load %arg7[%swap3A_345, %swap3A_346] {strides = array<i32>} : memref<50x128xi32, #tpu.memory_space<vmem>>, vector<1x16xi32>,
      %swap3A_348 = vector.shape_cast %swap3A_347 : vector<1x16xi32> to vector<16xi32>
      %swap3A_349 = vector.shape_cast %min3A_344 : vector<16xi32> to vector<1x16xi32>
      tpu.vector_store %arg7[%swap3A_345, %swap3A_346], %swap3A_349 {strides = array<i32>} : memref<50x128xi32, #tpu.memory_space<vmem>>, vector<1x16xi32>,
      %get3A_350 = arith.index_cast %add3A_336 : i32 to index
      %get3A_351 = arith.constant 16 : index
      %get3A_352 = tpu.vector_load %arg6[%get3A_350, %get3A_351] {strides = array<i32>} : memref<50x128xi32, #tpu.memory_space<vmem>>, vector<1x16xi32>,
      %get3A_353 = vector.shape_cast %get3A_352 : vector<1x16xi32> to vector<16xi32>
      %abs3A_354 = math.absi %get3A_353 : vector<16xi32>
      %broadcast_in_dim3A_355 = arith.constant 1 : i32
      %broadcast_in_dim3A_356 = vector.broadcast %broadcast_in_dim3A_355 : i32 to vector<16xi32>
      %min3A_357 = arith.minsi %abs3A_354, %broadcast_in_dim3A_356 : vector<16xi32>
      %swap3A_358 = arith.index_cast %add3A_336 : i32 to index
      %swap3A_359 = arith.constant 16 : index
      %swap3A_360 = tpu.vector_load %arg7[%swap3A_358, %swap3A_359] {strides = array<i32>} : memref<50x128xi32, #tpu.memory_space<vmem>>, vector<1x16xi32>,
      %swap3A_361 = vector.shape_cast %swap3A_360 : vector<1x16xi32> to vector<16xi32>
      %swap3A_362 = vector.shape_cast %min3A_357 : vector<16xi32> to vector<1x16xi32>
      tpu.vector_store %arg7[%swap3A_358, %swap3A_359], %swap3A_362 {strides = array<i32>} : memref<50x128xi32, #tpu.memory_space<vmem>>, vector<1x16xi32>,
      %get3A_363 = arith.index_cast %add3A_336 : i32 to index
      %get3A_364 = arith.constant 32 : index
      %get3A_365 = tpu.vector_load %arg6[%get3A_363, %get3A_364] {strides = array<i32>} : memref<50x128xi32, #tpu.memory_space<vmem>>, vector<1x16xi32>,
      %get3A_366 = vector.shape_cast %get3A_365 : vector<1x16xi32> to vector<16xi32>
      %abs3A_367 = math.absi %get3A_366 : vector<16xi32>
      %broadcast_in_dim3A_368 = arith.constant 1 : i32
      %broadcast_in_dim3A_369 = vector.broadcast %broadcast_in_dim3A_368 : i32 to vector<16xi32>
      %min3A_370 = arith.minsi %abs3A_367, %broadcast_in_dim3A_369 : vector<16xi32>
      %swap3A_371 = arith.index_cast %add3A_336 : i32 to index
      %swap3A_372 = arith.constant 32 : index
      %swap3A_373 = tpu.vector_load %arg7[%swap3A_371, %swap3A_372] {strides = array<i32>} : memref<50x128xi32, #tpu.memory_space<vmem>>, vector<1x16xi32>,
      %swap3A_374 = vector.shape_cast %swap3A_373 : vector<1x16xi32> to vector<16xi32>
      %swap3A_375 = vector.shape_cast %min3A_370 : vector<16xi32> to vector<1x16xi32>
      tpu.vector_store %arg7[%swap3A_371, %swap3A_372], %swap3A_375 {strides = array<i32>} : memref<50x128xi32, #tpu.memory_space<vmem>>, vector<1x16xi32>,
      %get3A_376 = arith.index_cast %add3A_336 : i32 to index
      %get3A_377 = arith.constant 48 : index
      %get3A_378 = tpu.vector_load %arg6[%get3A_376, %get3A_377] {strides = array<i32>} : memref<50x128xi32, #tpu.memory_space<vmem>>, vector<1x16xi32>,
      %get3A_379 = vector.shape_cast %get3A_378 : vector<1x16xi32> to vector<16xi32>
      %abs3A_380 = math.absi %get3A_379 : vector<16xi32>
      %broadcast_in_dim3A_381 = arith.constant 1 : i32
      %broadcast_in_dim3A_382 = vector.broadcast %broadcast_in_dim3A_381 : i32 to vector<16xi32>
      %min3A_383 = arith.minsi %abs3A_380, %broadcast_in_dim3A_382 : vector<16xi32>
      %swap3A_384 = arith.index_cast %add3A_336 : i32 to index
      %swap3A_385 = arith.constant 48 : index
      %swap3A_386 = tpu.vector_load %arg7[%swap3A_384, %swap3A_385] {strides = array<i32>} : memref<50x128xi32, #tpu.memory_space<vmem>>, vector<1x16xi32>,
      %swap3A_387 = vector.shape_cast %swap3A_386 : vector<1x16xi32> to vector<16xi32>
      %swap3A_388 = vector.shape_cast %min3A_383 : vector<16xi32> to vector<1x16xi32>
      tpu.vector_store %arg7[%swap3A_384, %swap3A_385], %swap3A_388 {strides = array<i32>} : memref<50x128xi32, #tpu.memory_space<vmem>>, vector<1x16xi32>,
      %get3A_389 = arith.index_cast %add3A_336 : i32 to index
      %get3A_390 = arith.constant 64 : index
      %get3A_391 = tpu.vector_load %arg6[%get3A_389, %get3A_390] {strides = array<i32>} : memref<50x128xi32, #tpu.memory_space<vmem>>, vector<1x16xi32>,
      %get3A_392 = vector.shape_cast %get3A_391 : vector<1x16xi32> to vector<16xi32>
      %abs3A_393 = math.absi %get3A_392 : vector<16xi32>
      %broadcast_in_dim3A_394 = arith.constant 1 : i32
      %broadcast_in_dim3A_395 = vector.broadcast %broadcast_in_dim3A_394 : i32 to vector<16xi32>
      %min3A_396 = arith.minsi %abs3A_393, %broadcast_in_dim3A_395 : vector<16xi32>
      %swap3A_397 = arith.index_cast %add3A_336 : i32 to index
      %swap3A_398 = arith.constant 64 : index
      %swap3A_399 = tpu.vector_load %arg7[%swap3A_397, %swap3A_398] {strides = array<i32>} : memref<50x128xi32, #tpu.memory_space<vmem>>, vector<1x16xi32>,
      %swap3A_400 = vector.shape_cast %swap3A_399 : vector<1x16xi32> to vector<16xi32>
      %swap3A_401 = vector.shape_cast %min3A_396 : vector<16xi32> to vector<1x16xi32>
      tpu.vector_store %arg7[%swap3A_397, %swap3A_398], %swap3A_401 {strides = array<i32>} : memref<50x128xi32, #tpu.memory_space<vmem>>, vector<1x16xi32>,
      %get3A_402 = arith.index_cast %add3A_336 : i32 to index
      %get3A_403 = arith.constant 80 : index
      %get3A_404 = tpu.vector_load %arg6[%get3A_402, %get3A_403] {strides = array<i32>} : memref<50x128xi32, #tpu.memory_space<vmem>>, vector<1x16xi32>,
      %get3A_405 = vector.shape_cast %get3A_404 : vector<1x16xi32> to vector<16xi32>
      %abs3A_406 = math.absi %get3A_405 : vector<16xi32>
      %broadcast_in_dim3A_407 = arith.constant 1 : i32
      %broadcast_in_dim3A_408 = vector.broadcast %broadcast_in_dim3A_407 : i32 to vector<16xi32>
      %min3A_409 = arith.minsi %abs3A_406, %broadcast_in_dim3A_408 : vector<16xi32>
      %swap3A_410 = arith.index_cast %add3A_336 : i32 to index
      %swap3A_411 = arith.constant 80 : index
      %swap3A_412 = tpu.vector_load %arg7[%swap3A_410, %swap3A_411] {strides = array<i32>} : memref<50x128xi32, #tpu.memory_space<vmem>>, vector<1x16xi32>,
      %swap3A_413 = vector.shape_cast %swap3A_412 : vector<1x16xi32> to vector<16xi32>
      %swap3A_414 = vector.shape_cast %min3A_409 : vector<16xi32> to vector<1x16xi32>
      tpu.vector_store %arg7[%swap3A_410, %swap3A_411], %swap3A_414 {strides = array<i32>} : memref<50x128xi32, #tpu.memory_space<vmem>>, vector<1x16xi32>,
      %get3A_415 = arith.index_cast %add3A_336 : i32 to index
      %get3A_416 = arith.constant 96 : index
      %get3A_417 = tpu.vector_load %arg6[%get3A_415, %get3A_416] {strides = array<i32>} : memref<50x128xi32, #tpu.memory_space<vmem>>, vector<1x16xi32>,
      %get3A_418 = vector.shape_cast %get3A_417 : vector<1x16xi32> to vector<16xi32>
      %abs3A_419 = math.absi %get3A_418 : vector<16xi32>
      %broadcast_in_dim3A_420 = arith.constant 1 : i32
      %broadcast_in_dim3A_421 = vector.broadcast %broadcast_in_dim3A_420 : i32 to vector<16xi32>
      %min3A_422 = arith.minsi %abs3A_419, %broadcast_in_dim3A_421 : vector<16xi32>
      %swap3A_423 = arith.index_cast %add3A_336 : i32 to index
      %swap3A_424 = arith.constant 96 : index
      %swap3A_425 = tpu.vector_load %arg7[%swap3A_423, %swap3A_424] {strides = array<i32>} : memref<50x128xi32, #tpu.memory_space<vmem>>, vector<1x16xi32>,
      %swap3A_426 = vector.shape_cast %swap3A_425 : vector<1x16xi32> to vector<16xi32>
      %swap3A_427 = vector.shape_cast %min3A_422 : vector<16xi32> to vector<1x16xi32>
      tpu.vector_store %arg7[%swap3A_423, %swap3A_424], %swap3A_427 {strides = array<i32>} : memref<50x128xi32, #tpu.memory_space<vmem>>, vector<1x16xi32>,
      %get3A_428 = arith.index_cast %add3A_336 : i32 to index
      %get3A_429 = arith.constant 112 : index
      %get3A_430 = tpu.vector_load %arg6[%get3A_428, %get3A_429] {strides = array<i32>} : memref<50x128xi32, #tpu.memory_space<vmem>>, vector<1x16xi32>,
      %get3A_431 = vector.shape_cast %get3A_430 : vector<1x16xi32> to vector<16xi32>
      %abs3A_432 = math.absi %get3A_431 : vector<16xi32>
      %broadcast_in_dim3A_433 = arith.constant 1 : i32
      %broadcast_in_dim3A_434 = vector.broadcast %broadcast_in_dim3A_433 : i32 to vector<16xi32>
      %min3A_435 = arith.minsi %abs3A_432, %broadcast_in_dim3A_434 : vector<16xi32>
      %swap3A_436 = arith.index_cast %add3A_336 : i32 to index
      %swap3A_437 = arith.constant 112 : index
      %swap3A_438 = tpu.vector_load %arg7[%swap3A_436, %swap3A_437] {strides = array<i32>} : memref<50x128xi32, #tpu.memory_space<vmem>>, vector<1x16xi32>,
      %swap3A_439 = vector.shape_cast %swap3A_438 : vector<1x16xi32> to vector<16xi32>
      %swap3A_440 = vector.shape_cast %min3A_435 : vector<16xi32> to vector<1x16xi32>
      tpu.vector_store %arg7[%swap3A_436, %swap3A_437], %swap3A_440 {strides = array<i32>} : memref<50x128xi32, #tpu.memory_space<vmem>>, vector<1x16xi32>,
      %dma_wait3A_441 = arith.constant 0 : i32
      %dma_wait3A_442 = tpu.memref_slice %arg6[%add3A_336, %dma_wait3A_441] : memref<50x128xi32, #tpu.memory_space<vmem>> -> memref<1x128xi32, #tpu.memory_space<vmem>>
      %dma_wait3A_443 = tpu.memref_squeeze %dma_wait3A_442 : memref<1x128xi32, #tpu.memory_space<vmem>> -> memref<128xi32, #tpu.memory_space<vmem>>
      %dma_wait3A_444 = arith.constant 0 : i32
      %dma_wait3A_445 = arith.constant 0 : i32
      %dma_wait3A_446 = tpu.memref_slice %arg3[%dma_wait3A_444, %dma_wait3A_445] : memref<100000x128xf32, #tpu.memory_space<hbm>> -> memref<100000x128xf32, #tpu.memory_space<hbm>>
      tpu.wait_indirect_dma semaphore(%arg14 : memref<!tpu.dma_semaphore, #tpu.memory_space<semaphore_mem>>) src(%dma_wait3A_446 : memref<100000x128xf32, #tpu.memory_space<hbm>>) dst(%arg8 : memref<128x128xf32, #tpu.memory_space<vmem>>)
      %dma_start3A_447 = arith.constant 0 : i32
      %dma_start3A_448 = tpu.memref_slice %arg4[%add3A_336, %mul3A_2, %dma_start3A_447] : memref<50x4096x128xf32, #tpu.memory_space<hbm>> -> memref<1x128x128xf32, #tpu.memory_space<hbm>>
      %dma_start3A_449 = tpu.memref_squeeze %dma_start3A_448 : memref<1x128x128xf32, #tpu.memory_space<hbm>> -> memref<128x128xf32, #tpu.memory_space<hbm>>
      %dma_start3A_450 = arith.constant 0 : i32
      %dma_start3A_451 = tpu.memref_slice %arg4[%add3A_336, %mul3A_2, %dma_start3A_450] : memref<50x4096x128xf32, #tpu.memory_space<hbm>> -> memref<1x128x128xf32, #tpu.memory_space<hbm>>
      %dma_start3A_452 = tpu.memref_squeeze %dma_start3A_451 : memref<1x128x128xf32, #tpu.memory_space<hbm>> -> memref<128x128xf32, #tpu.memory_space<hbm>>
      tpu.enqueue_dma source(%arg8 : memref<128x128xf32, #tpu.memory_space<vmem>>) target(%dma_start3A_452 : memref<128x128xf32, #tpu.memory_space<hbm>>) target_semaphore(%arg20 : memref<!tpu.dma_semaphore, #tpu.memory_space<semaphore_mem>>)
      %add3A_453 = arith.constant 6 : i32
      %add3A_454 = arith.addi %add3A_336, %add3A_453 : i32
      %sub3A = arith.constant 1 : i32
      %sub3A_455 = arith.subi %add3A_454, %sub3A : i32
      %gt3A = arith.constant 0 : i32
      %gt3A_456 = arith.cmpi sgt, %add3A_336, %gt3A : i32
      %lt3A = arith.constant 50 : i32
      %lt3A_457 = arith.cmpi slt, %sub3A_455, %lt3A : i32
      %and3A = arith.andi %gt3A_456, %lt3A_457 : i1
      %convert_element_type3A = arith.extui %and3A : i1 to i32
      %cond3A = arith.constant 0 : i32
      %cond3A_458 = arith.cmpi ne, %convert_element_type3A, %cond3A : i32
      scf.if %cond3A_458 {
        %sub3A_1119 = arith.constant 1 : i32
        %sub3A_1120 = arith.subi %add3A_336, %sub3A_1119 : i32
        %dma_wait3A_1121 = arith.constant 0 : i32
        %dma_wait3A_1122 = tpu.memref_slice %arg4[%sub3A_1120, %mul3A_2, %dma_wait3A_1121] : memref<50x4096x128xf32, #tpu.memory_space<hbm>> -> memref<1x128x128xf32, #tpu.memory_space<hbm>>
        %dma_wait3A_1123 = tpu.memref_squeeze %dma_wait3A_1122 : memref<1x128x128xf32, #tpu.memory_space<hbm>> -> memref<128x128xf32, #tpu.memory_space<hbm>>
        %dma_wait3A_1124 = arith.constant 0 : i32
        %dma_wait3A_1125 = tpu.memref_slice %arg4[%sub3A_1120, %mul3A_2, %dma_wait3A_1124] : memref<50x4096x128xf32, #tpu.memory_space<hbm>> -> memref<1x128x128xf32, #tpu.memory_space<hbm>>
        %dma_wait3A_1126 = tpu.memref_squeeze %dma_wait3A_1125 : memref<1x128x128xf32, #tpu.memory_space<hbm>> -> memref<128x128xf32, #tpu.memory_space<hbm>>
        tpu.wait_dma2 semaphore(%arg25 : memref<!tpu.dma_semaphore, #tpu.memory_space<semaphore_mem>>) src(%arg13 : memref<128x128xf32, #tpu.memory_space<vmem>>) dst(%dma_wait3A_1126 : memref<128x128xf32, #tpu.memory_space<hbm>>)
        %dma_start3A_1127 = arith.constant 0 : i32
        %dma_start3A_1128 = tpu.memref_slice %arg6[%sub3A_455, %dma_start3A_1127] : memref<50x128xi32, #tpu.memory_space<vmem>> -> memref<1x128xi32, #tpu.memory_space<vmem>>
        %dma_start3A_1129 = tpu.memref_squeeze %dma_start3A_1128 : memref<1x128xi32, #tpu.memory_space<vmem>> -> memref<128xi32, #tpu.memory_space<vmem>>
        %dma_start3A_1130 = arith.constant 0 : i32
        %dma_start3A_1131 = arith.constant 0 : i32
        %dma_start3A_1132 = tpu.memref_slice %arg3[%dma_start3A_1130, %dma_start3A_1131] : memref<100000x128xf32, #tpu.memory_space<hbm>> -> memref<100000x128xf32, #tpu.memory_space<hbm>>
        tpu.enqueue_indirect_dma source(%dma_start3A_1132 : memref<100000x128xf32, #tpu.memory_space<hbm>>) target(%arg13 : memref<128x128xf32, #tpu.memory_space<vmem>>) offsets(%dma_start3A_1129 : memref<128xi32, #tpu.memory_space<vmem>>) semaphore(%arg19 : memref<!tpu.dma_semaphore, #tpu.memory_space<semaphore_mem>>)
      } else {
      }
      %mul3A_459 = arith.constant 6 : i32
      %mul3A_460 = arith.muli %scan3A_332, %mul3A_459 : i32
      %add3A_461 = arith.constant 1 : i32
      %add3A_462 = arith.addi %mul3A_460, %add3A_461 : i32
      %get3A_463 = arith.index_cast %add3A_462 : i32 to index
      %get3A_464 = arith.constant 0 : index
      %get3A_465 = tpu.vector_load %arg6[%get3A_463, %get3A_464] {strides = array<i32>} : memref<50x128xi32, #tpu.memory_space<vmem>>, vector<1x16xi32>,
      %get3A_466 = vector.shape_cast %get3A_465 : vector<1x16xi32> to vector<16xi32>
      %abs3A_467 = math.absi %get3A_466 : vector<16xi32>
      %broadcast_in_dim3A_468 = arith.constant 1 : i32
      %broadcast_in_dim3A_469 = vector.broadcast %broadcast_in_dim3A_468 : i32 to vector<16xi32>
      %min3A_470 = arith.minsi %abs3A_467, %broadcast_in_dim3A_469 : vector<16xi32>
      %swap3A_471 = arith.index_cast %add3A_462 : i32 to index
      %swap3A_472 = arith.constant 0 : index
      %swap3A_473 = tpu.vector_load %arg7[%swap3A_471, %swap3A_472] {strides = array<i32>} : memref<50x128xi32, #tpu.memory_space<vmem>>, vector<1x16xi32>,
      %swap3A_474 = vector.shape_cast %swap3A_473 : vector<1x16xi32> to vector<16xi32>
      %swap3A_475 = vector.shape_cast %min3A_470 : vector<16xi32> to vector<1x16xi32>
      tpu.vector_store %arg7[%swap3A_471, %swap3A_472], %swap3A_475 {strides = array<i32>} : memref<50x128xi32, #tpu.memory_space<vmem>>, vector<1x16xi32>,
      %get3A_476 = arith.index_cast %add3A_462 : i32 to index
      %get3A_477 = arith.constant 16 : index
      %get3A_478 = tpu.vector_load %arg6[%get3A_476, %get3A_477] {strides = array<i32>} : memref<50x128xi32, #tpu.memory_space<vmem>>, vector<1x16xi32>,
      %get3A_479 = vector.shape_cast %get3A_478 : vector<1x16xi32> to vector<16xi32>
      %abs3A_480 = math.absi %get3A_479 : vector<16xi32>
      %broadcast_in_dim3A_481 = arith.constant 1 : i32
      %broadcast_in_dim3A_482 = vector.broadcast %broadcast_in_dim3A_481 : i32 to vector<16xi32>
      %min3A_483 = arith.minsi %abs3A_480, %broadcast_in_dim3A_482 : vector<16xi32>
      %swap3A_484 = arith.index_cast %add3A_462 : i32 to index
      %swap3A_485 = arith.constant 16 : index
      %swap3A_486 = tpu.vector_load %arg7[%swap3A_484, %swap3A_485] {strides = array<i32>} : memref<50x128xi32, #tpu.memory_space<vmem>>, vector<1x16xi32>,
      %swap3A_487 = vector.shape_cast %swap3A_486 : vector<1x16xi32> to vector<16xi32>
      %swap3A_488 = vector.shape_cast %min3A_483 : vector<16xi32> to vector<1x16xi32>
      tpu.vector_store %arg7[%swap3A_484, %swap3A_485], %swap3A_488 {strides = array<i32>} : memref<50x128xi32, #tpu.memory_space<vmem>>, vector<1x16xi32>,
      %get3A_489 = arith.index_cast %add3A_462 : i32 to index
      %get3A_490 = arith.constant 32 : index
      %get3A_491 = tpu.vector_load %arg6[%get3A_489, %get3A_490] {strides = array<i32>} : memref<50x128xi32, #tpu.memory_space<vmem>>, vector<1x16xi32>,
      %get3A_492 = vector.shape_cast %get3A_491 : vector<1x16xi32> to vector<16xi32>
      %abs3A_493 = math.absi %get3A_492 : vector<16xi32>
      %broadcast_in_dim3A_494 = arith.constant 1 : i32
      %broadcast_in_dim3A_495 = vector.broadcast %broadcast_in_dim3A_494 : i32 to vector<16xi32>
      %min3A_496 = arith.minsi %abs3A_493, %broadcast_in_dim3A_495 : vector<16xi32>
      %swap3A_497 = arith.index_cast %add3A_462 : i32 to index
      %swap3A_498 = arith.constant 32 : index
      %swap3A_499 = tpu.vector_load %arg7[%swap3A_497, %swap3A_498] {strides = array<i32>} : memref<50x128xi32, #tpu.memory_space<vmem>>, vector<1x16xi32>,
      %swap3A_500 = vector.shape_cast %swap3A_499 : vector<1x16xi32> to vector<16xi32>
      %swap3A_501 = vector.shape_cast %min3A_496 : vector<16xi32> to vector<1x16xi32>
      tpu.vector_store %arg7[%swap3A_497, %swap3A_498], %swap3A_501 {strides = array<i32>} : memref<50x128xi32, #tpu.memory_space<vmem>>, vector<1x16xi32>,
      %get3A_502 = arith.index_cast %add3A_462 : i32 to index
      %get3A_503 = arith.constant 48 : index
      %get3A_504 = tpu.vector_load %arg6[%get3A_502, %get3A_503] {strides = array<i32>} : memref<50x128xi32, #tpu.memory_space<vmem>>, vector<1x16xi32>,
      %get3A_505 = vector.shape_cast %get3A_504 : vector<1x16xi32> to vector<16xi32>
      %abs3A_506 = math.absi %get3A_505 : vector<16xi32>
      %broadcast_in_dim3A_507 = arith.constant 1 : i32
      %broadcast_in_dim3A_508 = vector.broadcast %broadcast_in_dim3A_507 : i32 to vector<16xi32>
      %min3A_509 = arith.minsi %abs3A_506, %broadcast_in_dim3A_508 : vector<16xi32>
      %swap3A_510 = arith.index_cast %add3A_462 : i32 to index
      %swap3A_511 = arith.constant 48 : index
      %swap3A_512 = tpu.vector_load %arg7[%swap3A_510, %swap3A_511] {strides = array<i32>} : memref<50x128xi32, #tpu.memory_space<vmem>>, vector<1x16xi32>,
      %swap3A_513 = vector.shape_cast %swap3A_512 : vector<1x16xi32> to vector<16xi32>
      %swap3A_514 = vector.shape_cast %min3A_509 : vector<16xi32> to vector<1x16xi32>
      tpu.vector_store %arg7[%swap3A_510, %swap3A_511], %swap3A_514 {strides = array<i32>} : memref<50x128xi32, #tpu.memory_space<vmem>>, vector<1x16xi32>,
      %get3A_515 = arith.index_cast %add3A_462 : i32 to index
      %get3A_516 = arith.constant 64 : index
      %get3A_517 = tpu.vector_load %arg6[%get3A_515, %get3A_516] {strides = array<i32>} : memref<50x128xi32, #tpu.memory_space<vmem>>, vector<1x16xi32>,
      %get3A_518 = vector.shape_cast %get3A_517 : vector<1x16xi32> to vector<16xi32>
      %abs3A_519 = math.absi %get3A_518 : vector<16xi32>
      %broadcast_in_dim3A_520 = arith.constant 1 : i32
      %broadcast_in_dim3A_521 = vector.broadcast %broadcast_in_dim3A_520 : i32 to vector<16xi32>
      %min3A_522 = arith.minsi %abs3A_519, %broadcast_in_dim3A_521 : vector<16xi32>
      %swap3A_523 = arith.index_cast %add3A_462 : i32 to index
      %swap3A_524 = arith.constant 64 : index
      %swap3A_525 = tpu.vector_load %arg7[%swap3A_523, %swap3A_524] {strides = array<i32>} : memref<50x128xi32, #tpu.memory_space<vmem>>, vector<1x16xi32>,
      %swap3A_526 = vector.shape_cast %swap3A_525 : vector<1x16xi32> to vector<16xi32>
      %swap3A_527 = vector.shape_cast %min3A_522 : vector<16xi32> to vector<1x16xi32>
      tpu.vector_store %arg7[%swap3A_523, %swap3A_524], %swap3A_527 {strides = array<i32>} : memref<50x128xi32, #tpu.memory_space<vmem>>, vector<1x16xi32>,
      %get3A_528 = arith.index_cast %add3A_462 : i32 to index
      %get3A_529 = arith.constant 80 : index
      %get3A_530 = tpu.vector_load %arg6[%get3A_528, %get3A_529] {strides = array<i32>} : memref<50x128xi32, #tpu.memory_space<vmem>>, vector<1x16xi32>,
      %get3A_531 = vector.shape_cast %get3A_530 : vector<1x16xi32> to vector<16xi32>
      %abs3A_532 = math.absi %get3A_531 : vector<16xi32>
      %broadcast_in_dim3A_533 = arith.constant 1 : i32
      %broadcast_in_dim3A_534 = vector.broadcast %broadcast_in_dim3A_533 : i32 to vector<16xi32>
      %min3A_535 = arith.minsi %abs3A_532, %broadcast_in_dim3A_534 : vector<16xi32>
      %swap3A_536 = arith.index_cast %add3A_462 : i32 to index
      %swap3A_537 = arith.constant 80 : index
      %swap3A_538 = tpu.vector_load %arg7[%swap3A_536, %swap3A_537] {strides = array<i32>} : memref<50x128xi32, #tpu.memory_space<vmem>>, vector<1x16xi32>,
      %swap3A_539 = vector.shape_cast %swap3A_538 : vector<1x16xi32> to vector<16xi32>
      %swap3A_540 = vector.shape_cast %min3A_535 : vector<16xi32> to vector<1x16xi32>
      tpu.vector_store %arg7[%swap3A_536, %swap3A_537], %swap3A_540 {strides = array<i32>} : memref<50x128xi32, #tpu.memory_space<vmem>>, vector<1x16xi32>,
      %get3A_541 = arith.index_cast %add3A_462 : i32 to index
      %get3A_542 = arith.constant 96 : index
      %get3A_543 = tpu.vector_load %arg6[%get3A_541, %get3A_542] {strides = array<i32>} : memref<50x128xi32, #tpu.memory_space<vmem>>, vector<1x16xi32>,
      %get3A_544 = vector.shape_cast %get3A_543 : vector<1x16xi32> to vector<16xi32>
      %abs3A_545 = math.absi %get3A_544 : vector<16xi32>
      %broadcast_in_dim3A_546 = arith.constant 1 : i32
      %broadcast_in_dim3A_547 = vector.broadcast %broadcast_in_dim3A_546 : i32 to vector<16xi32>
      %min3A_548 = arith.minsi %abs3A_545, %broadcast_in_dim3A_547 : vector<16xi32>
      %swap3A_549 = arith.index_cast %add3A_462 : i32 to index
      %swap3A_550 = arith.constant 96 : index
      %swap3A_551 = tpu.vector_load %arg7[%swap3A_549, %swap3A_550] {strides = array<i32>} : memref<50x128xi32, #tpu.memory_space<vmem>>, vector<1x16xi32>,
      %swap3A_552 = vector.shape_cast %swap3A_551 : vector<1x16xi32> to vector<16xi32>
      %swap3A_553 = vector.shape_cast %min3A_548 : vector<16xi32> to vector<1x16xi32>
      tpu.vector_store %arg7[%swap3A_549, %swap3A_550], %swap3A_553 {strides = array<i32>} : memref<50x128xi32, #tpu.memory_space<vmem>>, vector<1x16xi32>,
      %get3A_554 = arith.index_cast %add3A_462 : i32 to index
      %get3A_555 = arith.constant 112 : index
      %get3A_556 = tpu.vector_load %arg6[%get3A_554, %get3A_555] {strides = array<i32>} : memref<50x128xi32, #tpu.memory_space<vmem>>, vector<1x16xi32>,
      %get3A_557 = vector.shape_cast %get3A_556 : vector<1x16xi32> to vector<16xi32>
      %abs3A_558 = math.absi %get3A_557 : vector<16xi32>
      %broadcast_in_dim3A_559 = arith.constant 1 : i32
      %broadcast_in_dim3A_560 = vector.broadcast %broadcast_in_dim3A_559 : i32 to vector<16xi32>
      %min3A_561 = arith.minsi %abs3A_558, %broadcast_in_dim3A_560 : vector<16xi32>
      %swap3A_562 = arith.index_cast %add3A_462 : i32 to index
      %swap3A_563 = arith.constant 112 : index
      %swap3A_564 = tpu.vector_load %arg7[%swap3A_562, %swap3A_563] {strides = array<i32>} : memref<50x128xi32, #tpu.memory_space<vmem>>, vector<1x16xi32>,
      %swap3A_565 = vector.shape_cast %swap3A_564 : vector<1x16xi32> to vector<16xi32>
      %swap3A_566 = vector.shape_cast %min3A_561 : vector<16xi32> to vector<1x16xi32>
      tpu.vector_store %arg7[%swap3A_562, %swap3A_563], %swap3A_566 {strides = array<i32>} : memref<50x128xi32, #tpu.memory_space<vmem>>, vector<1x16xi32>,
      %dma_wait3A_567 = arith.constant 0 : i32
      %dma_wait3A_568 = tpu.memref_slice %arg6[%add3A_462, %dma_wait3A_567] : memref<50x128xi32, #tpu.memory_space<vmem>> -> memref<1x128xi32, #tpu.memory_space<vmem>>
      %dma_wait3A_569 = tpu.memref_squeeze %dma_wait3A_568 : memref<1x128xi32, #tpu.memory_space<vmem>> -> memref<128xi32, #tpu.memory_space<vmem>>
      %dma_wait3A_570 = arith.constant 0 : i32
      %dma_wait3A_571 = arith.constant 0 : i32
      %dma_wait3A_572 = tpu.memref_slice %arg3[%dma_wait3A_570, %dma_wait3A_571] : memref<100000x128xf32, #tpu.memory_space<hbm>> -> memref<100000x128xf32, #tpu.memory_space<hbm>>
      tpu.wait_indirect_dma semaphore(%arg15 : memref<!tpu.dma_semaphore, #tpu.memory_space<semaphore_mem>>) src(%dma_wait3A_572 : memref<100000x128xf32, #tpu.memory_space<hbm>>) dst(%arg9 : memref<128x128xf32, #tpu.memory_space<vmem>>)
      %dma_start3A_573 = arith.constant 0 : i32
      %dma_start3A_574 = tpu.memref_slice %arg4[%add3A_462, %mul3A_2, %dma_start3A_573] : memref<50x4096x128xf32, #tpu.memory_space<hbm>> -> memref<1x128x128xf32, #tpu.memory_space<hbm>>
      %dma_start3A_575 = tpu.memref_squeeze %dma_start3A_574 : memref<1x128x128xf32, #tpu.memory_space<hbm>> -> memref<128x128xf32, #tpu.memory_space<hbm>>
      %dma_start3A_576 = arith.constant 0 : i32
      %dma_start3A_577 = tpu.memref_slice %arg4[%add3A_462, %mul3A_2, %dma_start3A_576] : memref<50x4096x128xf32, #tpu.memory_space<hbm>> -> memref<1x128x128xf32, #tpu.memory_space<hbm>>
      %dma_start3A_578 = tpu.memref_squeeze %dma_start3A_577 : memref<1x128x128xf32, #tpu.memory_space<hbm>> -> memref<128x128xf32, #tpu.memory_space<hbm>>
      tpu.enqueue_dma source(%arg9 : memref<128x128xf32, #tpu.memory_space<vmem>>) target(%dma_start3A_578 : memref<128x128xf32, #tpu.memory_space<hbm>>) target_semaphore(%arg21 : memref<!tpu.dma_semaphore, #tpu.memory_space<semaphore_mem>>)
      %add3A_579 = arith.constant 6 : i32
      %add3A_580 = arith.addi %add3A_462, %add3A_579 : i32
      %sub3A_581 = arith.constant 1 : i32
      %sub3A_582 = arith.subi %add3A_580, %sub3A_581 : i32
      %gt3A_583 = arith.constant 0 : i32
      %gt3A_584 = arith.cmpi sgt, %add3A_462, %gt3A_583 : i32
      %lt3A_585 = arith.constant 50 : i32
      %lt3A_586 = arith.cmpi slt, %sub3A_582, %lt3A_585 : i32
      %and3A_587 = arith.andi %gt3A_584, %lt3A_586 : i1
      %convert_element_type3A_588 = arith.extui %and3A_587 : i1 to i32
      %cond3A_589 = arith.constant 0 : i32
      %cond3A_590 = arith.cmpi ne, %convert_element_type3A_588, %cond3A_589 : i32
      scf.if %cond3A_590 {
        %sub3A_1119 = arith.constant 1 : i32
        %sub3A_1120 = arith.subi %add3A_462, %sub3A_1119 : i32
        %dma_wait3A_1121 = arith.constant 0 : i32
        %dma_wait3A_1122 = tpu.memref_slice %arg4[%sub3A_1120, %mul3A_2, %dma_wait3A_1121] : memref<50x4096x128xf32, #tpu.memory_space<hbm>> -> memref<1x128x128xf32, #tpu.memory_space<hbm>>
        %dma_wait3A_1123 = tpu.memref_squeeze %dma_wait3A_1122 : memref<1x128x128xf32, #tpu.memory_space<hbm>> -> memref<128x128xf32, #tpu.memory_space<hbm>>
        %dma_wait3A_1124 = arith.constant 0 : i32
        %dma_wait3A_1125 = tpu.memref_slice %arg4[%sub3A_1120, %mul3A_2, %dma_wait3A_1124] : memref<50x4096x128xf32, #tpu.memory_space<hbm>> -> memref<1x128x128xf32, #tpu.memory_space<hbm>>
        %dma_wait3A_1126 = tpu.memref_squeeze %dma_wait3A_1125 : memref<1x128x128xf32, #tpu.memory_space<hbm>> -> memref<128x128xf32, #tpu.memory_space<hbm>>
        tpu.wait_dma2 semaphore(%arg20 : memref<!tpu.dma_semaphore, #tpu.memory_space<semaphore_mem>>) src(%arg8 : memref<128x128xf32, #tpu.memory_space<vmem>>) dst(%dma_wait3A_1126 : memref<128x128xf32, #tpu.memory_space<hbm>>)
        %dma_start3A_1127 = arith.constant 0 : i32
        %dma_start3A_1128 = tpu.memref_slice %arg6[%sub3A_582, %dma_start3A_1127] : memref<50x128xi32, #tpu.memory_space<vmem>> -> memref<1x128xi32, #tpu.memory_space<vmem>>
        %dma_start3A_1129 = tpu.memref_squeeze %dma_start3A_1128 : memref<1x128xi32, #tpu.memory_space<vmem>> -> memref<128xi32, #tpu.memory_space<vmem>>
        %dma_start3A_1130 = arith.constant 0 : i32
        %dma_start3A_1131 = arith.constant 0 : i32
        %dma_start3A_1132 = tpu.memref_slice %arg3[%dma_start3A_1130, %dma_start3A_1131] : memref<100000x128xf32, #tpu.memory_space<hbm>> -> memref<100000x128xf32, #tpu.memory_space<hbm>>
        tpu.enqueue_indirect_dma source(%dma_start3A_1132 : memref<100000x128xf32, #tpu.memory_space<hbm>>) target(%arg8 : memref<128x128xf32, #tpu.memory_space<vmem>>) offsets(%dma_start3A_1129 : memref<128xi32, #tpu.memory_space<vmem>>) semaphore(%arg14 : memref<!tpu.dma_semaphore, #tpu.memory_space<semaphore_mem>>)
      } else {
      }
      %mul3A_591 = arith.constant 6 : i32
      %mul3A_592 = arith.muli %scan3A_332, %mul3A_591 : i32
      %add3A_593 = arith.constant 2 : i32
      %add3A_594 = arith.addi %mul3A_592, %add3A_593 : i32
      %get3A_595 = arith.index_cast %add3A_594 : i32 to index
      %get3A_596 = arith.constant 0 : index
      %get3A_597 = tpu.vector_load %arg6[%get3A_595, %get3A_596] {strides = array<i32>} : memref<50x128xi32, #tpu.memory_space<vmem>>, vector<1x16xi32>,
      %get3A_598 = vector.shape_cast %get3A_597 : vector<1x16xi32> to vector<16xi32>
      %abs3A_599 = math.absi %get3A_598 : vector<16xi32>
      %broadcast_in_dim3A_600 = arith.constant 1 : i32
      %broadcast_in_dim3A_601 = vector.broadcast %broadcast_in_dim3A_600 : i32 to vector<16xi32>
      %min3A_602 = arith.minsi %abs3A_599, %broadcast_in_dim3A_601 : vector<16xi32>
      %swap3A_603 = arith.index_cast %add3A_594 : i32 to index
      %swap3A_604 = arith.constant 0 : index
      %swap3A_605 = tpu.vector_load %arg7[%swap3A_603, %swap3A_604] {strides = array<i32>} : memref<50x128xi32, #tpu.memory_space<vmem>>, vector<1x16xi32>,
      %swap3A_606 = vector.shape_cast %swap3A_605 : vector<1x16xi32> to vector<16xi32>
      %swap3A_607 = vector.shape_cast %min3A_602 : vector<16xi32> to vector<1x16xi32>
      tpu.vector_store %arg7[%swap3A_603, %swap3A_604], %swap3A_607 {strides = array<i32>} : memref<50x128xi32, #tpu.memory_space<vmem>>, vector<1x16xi32>,
      %get3A_608 = arith.index_cast %add3A_594 : i32 to index
      %get3A_609 = arith.constant 16 : index
      %get3A_610 = tpu.vector_load %arg6[%get3A_608, %get3A_609] {strides = array<i32>} : memref<50x128xi32, #tpu.memory_space<vmem>>, vector<1x16xi32>,
      %get3A_611 = vector.shape_cast %get3A_610 : vector<1x16xi32> to vector<16xi32>
      %abs3A_612 = math.absi %get3A_611 : vector<16xi32>
      %broadcast_in_dim3A_613 = arith.constant 1 : i32
      %broadcast_in_dim3A_614 = vector.broadcast %broadcast_in_dim3A_613 : i32 to vector<16xi32>
      %min3A_615 = arith.minsi %abs3A_612, %broadcast_in_dim3A_614 : vector<16xi32>
      %swap3A_616 = arith.index_cast %add3A_594 : i32 to index
      %swap3A_617 = arith.constant 16 : index
      %swap3A_618 = tpu.vector_load %arg7[%swap3A_616, %swap3A_617] {strides = array<i32>} : memref<50x128xi32, #tpu.memory_space<vmem>>, vector<1x16xi32>,
      %swap3A_619 = vector.shape_cast %swap3A_618 : vector<1x16xi32> to vector<16xi32>
      %swap3A_620 = vector.shape_cast %min3A_615 : vector<16xi32> to vector<1x16xi32>
      tpu.vector_store %arg7[%swap3A_616, %swap3A_617], %swap3A_620 {strides = array<i32>} : memref<50x128xi32, #tpu.memory_space<vmem>>, vector<1x16xi32>,
      %get3A_621 = arith.index_cast %add3A_594 : i32 to index
      %get3A_622 = arith.constant 32 : index
      %get3A_623 = tpu.vector_load %arg6[%get3A_621, %get3A_622] {strides = array<i32>} : memref<50x128xi32, #tpu.memory_space<vmem>>, vector<1x16xi32>,
      %get3A_624 = vector.shape_cast %get3A_623 : vector<1x16xi32> to vector<16xi32>
      %abs3A_625 = math.absi %get3A_624 : vector<16xi32>
      %broadcast_in_dim3A_626 = arith.constant 1 : i32
      %broadcast_in_dim3A_627 = vector.broadcast %broadcast_in_dim3A_626 : i32 to vector<16xi32>
      %min3A_628 = arith.minsi %abs3A_625, %broadcast_in_dim3A_627 : vector<16xi32>
      %swap3A_629 = arith.index_cast %add3A_594 : i32 to index
      %swap3A_630 = arith.constant 32 : index
      %swap3A_631 = tpu.vector_load %arg7[%swap3A_629, %swap3A_630] {strides = array<i32>} : memref<50x128xi32, #tpu.memory_space<vmem>>, vector<1x16xi32>,
      %swap3A_632 = vector.shape_cast %swap3A_631 : vector<1x16xi32> to vector<16xi32>
      %swap3A_633 = vector.shape_cast %min3A_628 : vector<16xi32> to vector<1x16xi32>
      tpu.vector_store %arg7[%swap3A_629, %swap3A_630], %swap3A_633 {strides = array<i32>} : memref<50x128xi32, #tpu.memory_space<vmem>>, vector<1x16xi32>,
      %get3A_634 = arith.index_cast %add3A_594 : i32 to index
      %get3A_635 = arith.constant 48 : index
      %get3A_636 = tpu.vector_load %arg6[%get3A_634, %get3A_635] {strides = array<i32>} : memref<50x128xi32, #tpu.memory_space<vmem>>, vector<1x16xi32>,
      %get3A_637 = vector.shape_cast %get3A_636 : vector<1x16xi32> to vector<16xi32>
      %abs3A_638 = math.absi %get3A_637 : vector<16xi32>
      %broadcast_in_dim3A_639 = arith.constant 1 : i32
      %broadcast_in_dim3A_640 = vector.broadcast %broadcast_in_dim3A_639 : i32 to vector<16xi32>
      %min3A_641 = arith.minsi %abs3A_638, %broadcast_in_dim3A_640 : vector<16xi32>
      %swap3A_642 = arith.index_cast %add3A_594 : i32 to index
      %swap3A_643 = arith.constant 48 : index
      %swap3A_644 = tpu.vector_load %arg7[%swap3A_642, %swap3A_643] {strides = array<i32>} : memref<50x128xi32, #tpu.memory_space<vmem>>, vector<1x16xi32>,
      %swap3A_645 = vector.shape_cast %swap3A_644 : vector<1x16xi32> to vector<16xi32>
      %swap3A_646 = vector.shape_cast %min3A_641 : vector<16xi32> to vector<1x16xi32>
      tpu.vector_store %arg7[%swap3A_642, %swap3A_643], %swap3A_646 {strides = array<i32>} : memref<50x128xi32, #tpu.memory_space<vmem>>, vector<1x16xi32>,
      %get3A_647 = arith.index_cast %add3A_594 : i32 to index
      %get3A_648 = arith.constant 64 : index
      %get3A_649 = tpu.vector_load %arg6[%get3A_647, %get3A_648] {strides = array<i32>} : memref<50x128xi32, #tpu.memory_space<vmem>>, vector<1x16xi32>,
      %get3A_650 = vector.shape_cast %get3A_649 : vector<1x16xi32> to vector<16xi32>
      %abs3A_651 = math.absi %get3A_650 : vector<16xi32>
      %broadcast_in_dim3A_652 = arith.constant 1 : i32
      %broadcast_in_dim3A_653 = vector.broadcast %broadcast_in_dim3A_652 : i32 to vector<16xi32>
      %min3A_654 = arith.minsi %abs3A_651, %broadcast_in_dim3A_653 : vector<16xi32>
      %swap3A_655 = arith.index_cast %add3A_594 : i32 to index
      %swap3A_656 = arith.constant 64 : index
      %swap3A_657 = tpu.vector_load %arg7[%swap3A_655, %swap3A_656] {strides = array<i32>} : memref<50x128xi32, #tpu.memory_space<vmem>>, vector<1x16xi32>,
      %swap3A_658 = vector.shape_cast %swap3A_657 : vector<1x16xi32> to vector<16xi32>
      %swap3A_659 = vector.shape_cast %min3A_654 : vector<16xi32> to vector<1x16xi32>
      tpu.vector_store %arg7[%swap3A_655, %swap3A_656], %swap3A_659 {strides = array<i32>} : memref<50x128xi32, #tpu.memory_space<vmem>>, vector<1x16xi32>,
      %get3A_660 = arith.index_cast %add3A_594 : i32 to index
      %get3A_661 = arith.constant 80 : index
      %get3A_662 = tpu.vector_load %arg6[%get3A_660, %get3A_661] {strides = array<i32>} : memref<50x128xi32, #tpu.memory_space<vmem>>, vector<1x16xi32>,
      %get3A_663 = vector.shape_cast %get3A_662 : vector<1x16xi32> to vector<16xi32>
      %abs3A_664 = math.absi %get3A_663 : vector<16xi32>
      %broadcast_in_dim3A_665 = arith.constant 1 : i32
      %broadcast_in_dim3A_666 = vector.broadcast %broadcast_in_dim3A_665 : i32 to vector<16xi32>
      %min3A_667 = arith.minsi %abs3A_664, %broadcast_in_dim3A_666 : vector<16xi32>
      %swap3A_668 = arith.index_cast %add3A_594 : i32 to index
      %swap3A_669 = arith.constant 80 : index
      %swap3A_670 = tpu.vector_load %arg7[%swap3A_668, %swap3A_669] {strides = array<i32>} : memref<50x128xi32, #tpu.memory_space<vmem>>, vector<1x16xi32>,
      %swap3A_671 = vector.shape_cast %swap3A_670 : vector<1x16xi32> to vector<16xi32>
      %swap3A_672 = vector.shape_cast %min3A_667 : vector<16xi32> to vector<1x16xi32>
      tpu.vector_store %arg7[%swap3A_668, %swap3A_669], %swap3A_672 {strides = array<i32>} : memref<50x128xi32, #tpu.memory_space<vmem>>, vector<1x16xi32>,
      %get3A_673 = arith.index_cast %add3A_594 : i32 to index
      %get3A_674 = arith.constant 96 : index
      %get3A_675 = tpu.vector_load %arg6[%get3A_673, %get3A_674] {strides = array<i32>} : memref<50x128xi32, #tpu.memory_space<vmem>>, vector<1x16xi32>,
      %get3A_676 = vector.shape_cast %get3A_675 : vector<1x16xi32> to vector<16xi32>
      %abs3A_677 = math.absi %get3A_676 : vector<16xi32>
      %broadcast_in_dim3A_678 = arith.constant 1 : i32
      %broadcast_in_dim3A_679 = vector.broadcast %broadcast_in_dim3A_678 : i32 to vector<16xi32>
      %min3A_680 = arith.minsi %abs3A_677, %broadcast_in_dim3A_679 : vector<16xi32>
      %swap3A_681 = arith.index_cast %add3A_594 : i32 to index
      %swap3A_682 = arith.constant 96 : index
      %swap3A_683 = tpu.vector_load %arg7[%swap3A_681, %swap3A_682] {strides = array<i32>} : memref<50x128xi32, #tpu.memory_space<vmem>>, vector<1x16xi32>,
      %swap3A_684 = vector.shape_cast %swap3A_683 : vector<1x16xi32> to vector<16xi32>
      %swap3A_685 = vector.shape_cast %min3A_680 : vector<16xi32> to vector<1x16xi32>
      tpu.vector_store %arg7[%swap3A_681, %swap3A_682], %swap3A_685 {strides = array<i32>} : memref<50x128xi32, #tpu.memory_space<vmem>>, vector<1x16xi32>,
      %get3A_686 = arith.index_cast %add3A_594 : i32 to index
      %get3A_687 = arith.constant 112 : index
      %get3A_688 = tpu.vector_load %arg6[%get3A_686, %get3A_687] {strides = array<i32>} : memref<50x128xi32, #tpu.memory_space<vmem>>, vector<1x16xi32>,
      %get3A_689 = vector.shape_cast %get3A_688 : vector<1x16xi32> to vector<16xi32>
      %abs3A_690 = math.absi %get3A_689 : vector<16xi32>
      %broadcast_in_dim3A_691 = arith.constant 1 : i32
      %broadcast_in_dim3A_692 = vector.broadcast %broadcast_in_dim3A_691 : i32 to vector<16xi32>
      %min3A_693 = arith.minsi %abs3A_690, %broadcast_in_dim3A_692 : vector<16xi32>
      %swap3A_694 = arith.index_cast %add3A_594 : i32 to index
      %swap3A_695 = arith.constant 112 : index
      %swap3A_696 = tpu.vector_load %arg7[%swap3A_694, %swap3A_695] {strides = array<i32>} : memref<50x128xi32, #tpu.memory_space<vmem>>, vector<1x16xi32>,
      %swap3A_697 = vector.shape_cast %swap3A_696 : vector<1x16xi32> to vector<16xi32>
      %swap3A_698 = vector.shape_cast %min3A_693 : vector<16xi32> to vector<1x16xi32>
      tpu.vector_store %arg7[%swap3A_694, %swap3A_695], %swap3A_698 {strides = array<i32>} : memref<50x128xi32, #tpu.memory_space<vmem>>, vector<1x16xi32>,
      %dma_wait3A_699 = arith.constant 0 : i32
      %dma_wait3A_700 = tpu.memref_slice %arg6[%add3A_594, %dma_wait3A_699] : memref<50x128xi32, #tpu.memory_space<vmem>> -> memref<1x128xi32, #tpu.memory_space<vmem>>
      %dma_wait3A_701 = tpu.memref_squeeze %dma_wait3A_700 : memref<1x128xi32, #tpu.memory_space<vmem>> -> memref<128xi32, #tpu.memory_space<vmem>>
      %dma_wait3A_702 = arith.constant 0 : i32
      %dma_wait3A_703 = arith.constant 0 : i32
      %dma_wait3A_704 = tpu.memref_slice %arg3[%dma_wait3A_702, %dma_wait3A_703] : memref<100000x128xf32, #tpu.memory_space<hbm>> -> memref<100000x128xf32, #tpu.memory_space<hbm>>
      tpu.wait_indirect_dma semaphore(%arg16 : memref<!tpu.dma_semaphore, #tpu.memory_space<semaphore_mem>>) src(%dma_wait3A_704 : memref<100000x128xf32, #tpu.memory_space<hbm>>) dst(%arg10 : memref<128x128xf32, #tpu.memory_space<vmem>>)
      %dma_start3A_705 = arith.constant 0 : i32
      %dma_start3A_706 = tpu.memref_slice %arg4[%add3A_594, %mul3A_2, %dma_start3A_705] : memref<50x4096x128xf32, #tpu.memory_space<hbm>> -> memref<1x128x128xf32, #tpu.memory_space<hbm>>
      %dma_start3A_707 = tpu.memref_squeeze %dma_start3A_706 : memref<1x128x128xf32, #tpu.memory_space<hbm>> -> memref<128x128xf32, #tpu.memory_space<hbm>>
      %dma_start3A_708 = arith.constant 0 : i32
      %dma_start3A_709 = tpu.memref_slice %arg4[%add3A_594, %mul3A_2, %dma_start3A_708] : memref<50x4096x128xf32, #tpu.memory_space<hbm>> -> memref<1x128x128xf32, #tpu.memory_space<hbm>>
      %dma_start3A_710 = tpu.memref_squeeze %dma_start3A_709 : memref<1x128x128xf32, #tpu.memory_space<hbm>> -> memref<128x128xf32, #tpu.memory_space<hbm>>
      tpu.enqueue_dma source(%arg10 : memref<128x128xf32, #tpu.memory_space<vmem>>) target(%dma_start3A_710 : memref<128x128xf32, #tpu.memory_space<hbm>>) target_semaphore(%arg22 : memref<!tpu.dma_semaphore, #tpu.memory_space<semaphore_mem>>)
      %add3A_711 = arith.constant 6 : i32
      %add3A_712 = arith.addi %add3A_594, %add3A_711 : i32
      %sub3A_713 = arith.constant 1 : i32
      %sub3A_714 = arith.subi %add3A_712, %sub3A_713 : i32
      %gt3A_715 = arith.constant 0 : i32
      %gt3A_716 = arith.cmpi sgt, %add3A_594, %gt3A_715 : i32
      %lt3A_717 = arith.constant 50 : i32
      %lt3A_718 = arith.cmpi slt, %sub3A_714, %lt3A_717 : i32
      %and3A_719 = arith.andi %gt3A_716, %lt3A_718 : i1
      %convert_element_type3A_720 = arith.extui %and3A_719 : i1 to i32
      %cond3A_721 = arith.constant 0 : i32
      %cond3A_722 = arith.cmpi ne, %convert_element_type3A_720, %cond3A_721 : i32
      scf.if %cond3A_722 {
        %sub3A_1119 = arith.constant 1 : i32
        %sub3A_1120 = arith.subi %add3A_594, %sub3A_1119 : i32
        %dma_wait3A_1121 = arith.constant 0 : i32
        %dma_wait3A_1122 = tpu.memref_slice %arg4[%sub3A_1120, %mul3A_2, %dma_wait3A_1121] : memref<50x4096x128xf32, #tpu.memory_space<hbm>> -> memref<1x128x128xf32, #tpu.memory_space<hbm>>
        %dma_wait3A_1123 = tpu.memref_squeeze %dma_wait3A_1122 : memref<1x128x128xf32, #tpu.memory_space<hbm>> -> memref<128x128xf32, #tpu.memory_space<hbm>>
        %dma_wait3A_1124 = arith.constant 0 : i32
        %dma_wait3A_1125 = tpu.memref_slice %arg4[%sub3A_1120, %mul3A_2, %dma_wait3A_1124] : memref<50x4096x128xf32, #tpu.memory_space<hbm>> -> memref<1x128x128xf32, #tpu.memory_space<hbm>>
        %dma_wait3A_1126 = tpu.memref_squeeze %dma_wait3A_1125 : memref<1x128x128xf32, #tpu.memory_space<hbm>> -> memref<128x128xf32, #tpu.memory_space<hbm>>
        tpu.wait_dma2 semaphore(%arg21 : memref<!tpu.dma_semaphore, #tpu.memory_space<semaphore_mem>>) src(%arg9 : memref<128x128xf32, #tpu.memory_space<vmem>>) dst(%dma_wait3A_1126 : memref<128x128xf32, #tpu.memory_space<hbm>>)
        %dma_start3A_1127 = arith.constant 0 : i32
        %dma_start3A_1128 = tpu.memref_slice %arg6[%sub3A_714, %dma_start3A_1127] : memref<50x128xi32, #tpu.memory_space<vmem>> -> memref<1x128xi32, #tpu.memory_space<vmem>>
        %dma_start3A_1129 = tpu.memref_squeeze %dma_start3A_1128 : memref<1x128xi32, #tpu.memory_space<vmem>> -> memref<128xi32, #tpu.memory_space<vmem>>
        %dma_start3A_1130 = arith.constant 0 : i32
        %dma_start3A_1131 = arith.constant 0 : i32
        %dma_start3A_1132 = tpu.memref_slice %arg3[%dma_start3A_1130, %dma_start3A_1131] : memref<100000x128xf32, #tpu.memory_space<hbm>> -> memref<100000x128xf32, #tpu.memory_space<hbm>>
        tpu.enqueue_indirect_dma source(%dma_start3A_1132 : memref<100000x128xf32, #tpu.memory_space<hbm>>) target(%arg9 : memref<128x128xf32, #tpu.memory_space<vmem>>) offsets(%dma_start3A_1129 : memref<128xi32, #tpu.memory_space<vmem>>) semaphore(%arg15 : memref<!tpu.dma_semaphore, #tpu.memory_space<semaphore_mem>>)
      } else {
      }
      %mul3A_723 = arith.constant 6 : i32
      %mul3A_724 = arith.muli %scan3A_332, %mul3A_723 : i32
      %add3A_725 = arith.constant 3 : i32
      %add3A_726 = arith.addi %mul3A_724, %add3A_725 : i32
      %get3A_727 = arith.index_cast %add3A_726 : i32 to index
      %get3A_728 = arith.constant 0 : index
      %get3A_729 = tpu.vector_load %arg6[%get3A_727, %get3A_728] {strides = array<i32>} : memref<50x128xi32, #tpu.memory_space<vmem>>, vector<1x16xi32>,
      %get3A_730 = vector.shape_cast %get3A_729 : vector<1x16xi32> to vector<16xi32>
      %abs3A_731 = math.absi %get3A_730 : vector<16xi32>
      %broadcast_in_dim3A_732 = arith.constant 1 : i32
      %broadcast_in_dim3A_733 = vector.broadcast %broadcast_in_dim3A_732 : i32 to vector<16xi32>
      %min3A_734 = arith.minsi %abs3A_731, %broadcast_in_dim3A_733 : vector<16xi32>
      %swap3A_735 = arith.index_cast %add3A_726 : i32 to index
      %swap3A_736 = arith.constant 0 : index
      %swap3A_737 = tpu.vector_load %arg7[%swap3A_735, %swap3A_736] {strides = array<i32>} : memref<50x128xi32, #tpu.memory_space<vmem>>, vector<1x16xi32>,
      %swap3A_738 = vector.shape_cast %swap3A_737 : vector<1x16xi32> to vector<16xi32>
      %swap3A_739 = vector.shape_cast %min3A_734 : vector<16xi32> to vector<1x16xi32>
      tpu.vector_store %arg7[%swap3A_735, %swap3A_736], %swap3A_739 {strides = array<i32>} : memref<50x128xi32, #tpu.memory_space<vmem>>, vector<1x16xi32>,
      %get3A_740 = arith.index_cast %add3A_726 : i32 to index
      %get3A_741 = arith.constant 16 : index
      %get3A_742 = tpu.vector_load %arg6[%get3A_740, %get3A_741] {strides = array<i32>} : memref<50x128xi32, #tpu.memory_space<vmem>>, vector<1x16xi32>,
      %get3A_743 = vector.shape_cast %get3A_742 : vector<1x16xi32> to vector<16xi32>
      %abs3A_744 = math.absi %get3A_743 : vector<16xi32>
      %broadcast_in_dim3A_745 = arith.constant 1 : i32
      %broadcast_in_dim3A_746 = vector.broadcast %broadcast_in_dim3A_745 : i32 to vector<16xi32>
      %min3A_747 = arith.minsi %abs3A_744, %broadcast_in_dim3A_746 : vector<16xi32>
      %swap3A_748 = arith.index_cast %add3A_726 : i32 to index
      %swap3A_749 = arith.constant 16 : index
      %swap3A_750 = tpu.vector_load %arg7[%swap3A_748, %swap3A_749] {strides = array<i32>} : memref<50x128xi32, #tpu.memory_space<vmem>>, vector<1x16xi32>,
      %swap3A_751 = vector.shape_cast %swap3A_750 : vector<1x16xi32> to vector<16xi32>
      %swap3A_752 = vector.shape_cast %min3A_747 : vector<16xi32> to vector<1x16xi32>
      tpu.vector_store %arg7[%swap3A_748, %swap3A_749], %swap3A_752 {strides = array<i32>} : memref<50x128xi32, #tpu.memory_space<vmem>>, vector<1x16xi32>,
      %get3A_753 = arith.index_cast %add3A_726 : i32 to index
      %get3A_754 = arith.constant 32 : index
      %get3A_755 = tpu.vector_load %arg6[%get3A_753, %get3A_754] {strides = array<i32>} : memref<50x128xi32, #tpu.memory_space<vmem>>, vector<1x16xi32>,
      %get3A_756 = vector.shape_cast %get3A_755 : vector<1x16xi32> to vector<16xi32>
      %abs3A_757 = math.absi %get3A_756 : vector<16xi32>
      %broadcast_in_dim3A_758 = arith.constant 1 : i32
      %broadcast_in_dim3A_759 = vector.broadcast %broadcast_in_dim3A_758 : i32 to vector<16xi32>
      %min3A_760 = arith.minsi %abs3A_757, %broadcast_in_dim3A_759 : vector<16xi32>
      %swap3A_761 = arith.index_cast %add3A_726 : i32 to index
      %swap3A_762 = arith.constant 32 : index
      %swap3A_763 = tpu.vector_load %arg7[%swap3A_761, %swap3A_762] {strides = array<i32>} : memref<50x128xi32, #tpu.memory_space<vmem>>, vector<1x16xi32>,
      %swap3A_764 = vector.shape_cast %swap3A_763 : vector<1x16xi32> to vector<16xi32>
      %swap3A_765 = vector.shape_cast %min3A_760 : vector<16xi32> to vector<1x16xi32>
      tpu.vector_store %arg7[%swap3A_761, %swap3A_762], %swap3A_765 {strides = array<i32>} : memref<50x128xi32, #tpu.memory_space<vmem>>, vector<1x16xi32>,
      %get3A_766 = arith.index_cast %add3A_726 : i32 to index
      %get3A_767 = arith.constant 48 : index
      %get3A_768 = tpu.vector_load %arg6[%get3A_766, %get3A_767] {strides = array<i32>} : memref<50x128xi32, #tpu.memory_space<vmem>>, vector<1x16xi32>,
      %get3A_769 = vector.shape_cast %get3A_768 : vector<1x16xi32> to vector<16xi32>
      %abs3A_770 = math.absi %get3A_769 : vector<16xi32>
      %broadcast_in_dim3A_771 = arith.constant 1 : i32
      %broadcast_in_dim3A_772 = vector.broadcast %broadcast_in_dim3A_771 : i32 to vector<16xi32>
      %min3A_773 = arith.minsi %abs3A_770, %broadcast_in_dim3A_772 : vector<16xi32>
      %swap3A_774 = arith.index_cast %add3A_726 : i32 to index
      %swap3A_775 = arith.constant 48 : index
      %swap3A_776 = tpu.vector_load %arg7[%swap3A_774, %swap3A_775] {strides = array<i32>} : memref<50x128xi32, #tpu.memory_space<vmem>>, vector<1x16xi32>,
      %swap3A_777 = vector.shape_cast %swap3A_776 : vector<1x16xi32> to vector<16xi32>
      %swap3A_778 = vector.shape_cast %min3A_773 : vector<16xi32> to vector<1x16xi32>
      tpu.vector_store %arg7[%swap3A_774, %swap3A_775], %swap3A_778 {strides = array<i32>} : memref<50x128xi32, #tpu.memory_space<vmem>>, vector<1x16xi32>,
      %get3A_779 = arith.index_cast %add3A_726 : i32 to index
      %get3A_780 = arith.constant 64 : index
      %get3A_781 = tpu.vector_load %arg6[%get3A_779, %get3A_780] {strides = array<i32>} : memref<50x128xi32, #tpu.memory_space<vmem>>, vector<1x16xi32>,
      %get3A_782 = vector.shape_cast %get3A_781 : vector<1x16xi32> to vector<16xi32>
      %abs3A_783 = math.absi %get3A_782 : vector<16xi32>
      %broadcast_in_dim3A_784 = arith.constant 1 : i32
      %broadcast_in_dim3A_785 = vector.broadcast %broadcast_in_dim3A_784 : i32 to vector<16xi32>
      %min3A_786 = arith.minsi %abs3A_783, %broadcast_in_dim3A_785 : vector<16xi32>
      %swap3A_787 = arith.index_cast %add3A_726 : i32 to index
      %swap3A_788 = arith.constant 64 : index
      %swap3A_789 = tpu.vector_load %arg7[%swap3A_787, %swap3A_788] {strides = array<i32>} : memref<50x128xi32, #tpu.memory_space<vmem>>, vector<1x16xi32>,
      %swap3A_790 = vector.shape_cast %swap3A_789 : vector<1x16xi32> to vector<16xi32>
      %swap3A_791 = vector.shape_cast %min3A_786 : vector<16xi32> to vector<1x16xi32>
      tpu.vector_store %arg7[%swap3A_787, %swap3A_788], %swap3A_791 {strides = array<i32>} : memref<50x128xi32, #tpu.memory_space<vmem>>, vector<1x16xi32>,
      %get3A_792 = arith.index_cast %add3A_726 : i32 to index
      %get3A_793 = arith.constant 80 : index
      %get3A_794 = tpu.vector_load %arg6[%get3A_792, %get3A_793] {strides = array<i32>} : memref<50x128xi32, #tpu.memory_space<vmem>>, vector<1x16xi32>,
      %get3A_795 = vector.shape_cast %get3A_794 : vector<1x16xi32> to vector<16xi32>
      %abs3A_796 = math.absi %get3A_795 : vector<16xi32>
      %broadcast_in_dim3A_797 = arith.constant 1 : i32
      %broadcast_in_dim3A_798 = vector.broadcast %broadcast_in_dim3A_797 : i32 to vector<16xi32>
      %min3A_799 = arith.minsi %abs3A_796, %broadcast_in_dim3A_798 : vector<16xi32>
      %swap3A_800 = arith.index_cast %add3A_726 : i32 to index
      %swap3A_801 = arith.constant 80 : index
      %swap3A_802 = tpu.vector_load %arg7[%swap3A_800, %swap3A_801] {strides = array<i32>} : memref<50x128xi32, #tpu.memory_space<vmem>>, vector<1x16xi32>,
      %swap3A_803 = vector.shape_cast %swap3A_802 : vector<1x16xi32> to vector<16xi32>
      %swap3A_804 = vector.shape_cast %min3A_799 : vector<16xi32> to vector<1x16xi32>
      tpu.vector_store %arg7[%swap3A_800, %swap3A_801], %swap3A_804 {strides = array<i32>} : memref<50x128xi32, #tpu.memory_space<vmem>>, vector<1x16xi32>,
      %get3A_805 = arith.index_cast %add3A_726 : i32 to index
      %get3A_806 = arith.constant 96 : index
      %get3A_807 = tpu.vector_load %arg6[%get3A_805, %get3A_806] {strides = array<i32>} : memref<50x128xi32, #tpu.memory_space<vmem>>, vector<1x16xi32>,
      %get3A_808 = vector.shape_cast %get3A_807 : vector<1x16xi32> to vector<16xi32>
      %abs3A_809 = math.absi %get3A_808 : vector<16xi32>
      %broadcast_in_dim3A_810 = arith.constant 1 : i32
      %broadcast_in_dim3A_811 = vector.broadcast %broadcast_in_dim3A_810 : i32 to vector<16xi32>
      %min3A_812 = arith.minsi %abs3A_809, %broadcast_in_dim3A_811 : vector<16xi32>
      %swap3A_813 = arith.index_cast %add3A_726 : i32 to index
      %swap3A_814 = arith.constant 96 : index
      %swap3A_815 = tpu.vector_load %arg7[%swap3A_813, %swap3A_814] {strides = array<i32>} : memref<50x128xi32, #tpu.memory_space<vmem>>, vector<1x16xi32>,
      %swap3A_816 = vector.shape_cast %swap3A_815 : vector<1x16xi32> to vector<16xi32>
      %swap3A_817 = vector.shape_cast %min3A_812 : vector<16xi32> to vector<1x16xi32>
      tpu.vector_store %arg7[%swap3A_813, %swap3A_814], %swap3A_817 {strides = array<i32>} : memref<50x128xi32, #tpu.memory_space<vmem>>, vector<1x16xi32>,
      %get3A_818 = arith.index_cast %add3A_726 : i32 to index
      %get3A_819 = arith.constant 112 : index
      %get3A_820 = tpu.vector_load %arg6[%get3A_818, %get3A_819] {strides = array<i32>} : memref<50x128xi32, #tpu.memory_space<vmem>>, vector<1x16xi32>,
      %get3A_821 = vector.shape_cast %get3A_820 : vector<1x16xi32> to vector<16xi32>
      %abs3A_822 = math.absi %get3A_821 : vector<16xi32>
      %broadcast_in_dim3A_823 = arith.constant 1 : i32
      %broadcast_in_dim3A_824 = vector.broadcast %broadcast_in_dim3A_823 : i32 to vector<16xi32>
      %min3A_825 = arith.minsi %abs3A_822, %broadcast_in_dim3A_824 : vector<16xi32>
      %swap3A_826 = arith.index_cast %add3A_726 : i32 to index
      %swap3A_827 = arith.constant 112 : index
      %swap3A_828 = tpu.vector_load %arg7[%swap3A_826, %swap3A_827] {strides = array<i32>} : memref<50x128xi32, #tpu.memory_space<vmem>>, vector<1x16xi32>,
      %swap3A_829 = vector.shape_cast %swap3A_828 : vector<1x16xi32> to vector<16xi32>
      %swap3A_830 = vector.shape_cast %min3A_825 : vector<16xi32> to vector<1x16xi32>
      tpu.vector_store %arg7[%swap3A_826, %swap3A_827], %swap3A_830 {strides = array<i32>} : memref<50x128xi32, #tpu.memory_space<vmem>>, vector<1x16xi32>,
      %dma_wait3A_831 = arith.constant 0 : i32
      %dma_wait3A_832 = tpu.memref_slice %arg6[%add3A_726, %dma_wait3A_831] : memref<50x128xi32, #tpu.memory_space<vmem>> -> memref<1x128xi32, #tpu.memory_space<vmem>>
      %dma_wait3A_833 = tpu.memref_squeeze %dma_wait3A_832 : memref<1x128xi32, #tpu.memory_space<vmem>> -> memref<128xi32, #tpu.memory_space<vmem>>
      %dma_wait3A_834 = arith.constant 0 : i32
      %dma_wait3A_835 = arith.constant 0 : i32
      %dma_wait3A_836 = tpu.memref_slice %arg3[%dma_wait3A_834, %dma_wait3A_835] : memref<100000x128xf32, #tpu.memory_space<hbm>> -> memref<100000x128xf32, #tpu.memory_space<hbm>>
      tpu.wait_indirect_dma semaphore(%arg17 : memref<!tpu.dma_semaphore, #tpu.memory_space<semaphore_mem>>) src(%dma_wait3A_836 : memref<100000x128xf32, #tpu.memory_space<hbm>>) dst(%arg11 : memref<128x128xf32, #tpu.memory_space<vmem>>)
      %dma_start3A_837 = arith.constant 0 : i32
      %dma_start3A_838 = tpu.memref_slice %arg4[%add3A_726, %mul3A_2, %dma_start3A_837] : memref<50x4096x128xf32, #tpu.memory_space<hbm>> -> memref<1x128x128xf32, #tpu.memory_space<hbm>>
      %dma_start3A_839 = tpu.memref_squeeze %dma_start3A_838 : memref<1x128x128xf32, #tpu.memory_space<hbm>> -> memref<128x128xf32, #tpu.memory_space<hbm>>
      %dma_start3A_840 = arith.constant 0 : i32
      %dma_start3A_841 = tpu.memref_slice %arg4[%add3A_726, %mul3A_2, %dma_start3A_840] : memref<50x4096x128xf32, #tpu.memory_space<hbm>> -> memref<1x128x128xf32, #tpu.memory_space<hbm>>
      %dma_start3A_842 = tpu.memref_squeeze %dma_start3A_841 : memref<1x128x128xf32, #tpu.memory_space<hbm>> -> memref<128x128xf32, #tpu.memory_space<hbm>>
      tpu.enqueue_dma source(%arg11 : memref<128x128xf32, #tpu.memory_space<vmem>>) target(%dma_start3A_842 : memref<128x128xf32, #tpu.memory_space<hbm>>) target_semaphore(%arg23 : memref<!tpu.dma_semaphore, #tpu.memory_space<semaphore_mem>>)
      %add3A_843 = arith.constant 6 : i32
      %add3A_844 = arith.addi %add3A_726, %add3A_843 : i32
      %sub3A_845 = arith.constant 1 : i32
      %sub3A_846 = arith.subi %add3A_844, %sub3A_845 : i32
      %gt3A_847 = arith.constant 0 : i32
      %gt3A_848 = arith.cmpi sgt, %add3A_726, %gt3A_847 : i32
      %lt3A_849 = arith.constant 50 : i32
      %lt3A_850 = arith.cmpi slt, %sub3A_846, %lt3A_849 : i32
      %and3A_851 = arith.andi %gt3A_848, %lt3A_850 : i1
      %convert_element_type3A_852 = arith.extui %and3A_851 : i1 to i32
      %cond3A_853 = arith.constant 0 : i32
      %cond3A_854 = arith.cmpi ne, %convert_element_type3A_852, %cond3A_853 : i32
      scf.if %cond3A_854 {
        %sub3A_1119 = arith.constant 1 : i32
        %sub3A_1120 = arith.subi %add3A_726, %sub3A_1119 : i32
        %dma_wait3A_1121 = arith.constant 0 : i32
        %dma_wait3A_1122 = tpu.memref_slice %arg4[%sub3A_1120, %mul3A_2, %dma_wait3A_1121] : memref<50x4096x128xf32, #tpu.memory_space<hbm>> -> memref<1x128x128xf32, #tpu.memory_space<hbm>>
        %dma_wait3A_1123 = tpu.memref_squeeze %dma_wait3A_1122 : memref<1x128x128xf32, #tpu.memory_space<hbm>> -> memref<128x128xf32, #tpu.memory_space<hbm>>
        %dma_wait3A_1124 = arith.constant 0 : i32
        %dma_wait3A_1125 = tpu.memref_slice %arg4[%sub3A_1120, %mul3A_2, %dma_wait3A_1124] : memref<50x4096x128xf32, #tpu.memory_space<hbm>> -> memref<1x128x128xf32, #tpu.memory_space<hbm>>
        %dma_wait3A_1126 = tpu.memref_squeeze %dma_wait3A_1125 : memref<1x128x128xf32, #tpu.memory_space<hbm>> -> memref<128x128xf32, #tpu.memory_space<hbm>>
        tpu.wait_dma2 semaphore(%arg22 : memref<!tpu.dma_semaphore, #tpu.memory_space<semaphore_mem>>) src(%arg10 : memref<128x128xf32, #tpu.memory_space<vmem>>) dst(%dma_wait3A_1126 : memref<128x128xf32, #tpu.memory_space<hbm>>)
        %dma_start3A_1127 = arith.constant 0 : i32
        %dma_start3A_1128 = tpu.memref_slice %arg6[%sub3A_846, %dma_start3A_1127] : memref<50x128xi32, #tpu.memory_space<vmem>> -> memref<1x128xi32, #tpu.memory_space<vmem>>
        %dma_start3A_1129 = tpu.memref_squeeze %dma_start3A_1128 : memref<1x128xi32, #tpu.memory_space<vmem>> -> memref<128xi32, #tpu.memory_space<vmem>>
        %dma_start3A_1130 = arith.constant 0 : i32
        %dma_start3A_1131 = arith.constant 0 : i32
        %dma_start3A_1132 = tpu.memref_slice %arg3[%dma_start3A_1130, %dma_start3A_1131] : memref<100000x128xf32, #tpu.memory_space<hbm>> -> memref<100000x128xf32, #tpu.memory_space<hbm>>
        tpu.enqueue_indirect_dma source(%dma_start3A_1132 : memref<100000x128xf32, #tpu.memory_space<hbm>>) target(%arg10 : memref<128x128xf32, #tpu.memory_space<vmem>>) offsets(%dma_start3A_1129 : memref<128xi32, #tpu.memory_space<vmem>>) semaphore(%arg16 : memref<!tpu.dma_semaphore, #tpu.memory_space<semaphore_mem>>)
      } else {
      }
      %mul3A_855 = arith.constant 6 : i32
      %mul3A_856 = arith.muli %scan3A_332, %mul3A_855 : i32
      %add3A_857 = arith.constant 4 : i32
      %add3A_858 = arith.addi %mul3A_856, %add3A_857 : i32
      %get3A_859 = arith.index_cast %add3A_858 : i32 to index
      %get3A_860 = arith.constant 0 : index
      %get3A_861 = tpu.vector_load %arg6[%get3A_859, %get3A_860] {strides = array<i32>} : memref<50x128xi32, #tpu.memory_space<vmem>>, vector<1x16xi32>,
      %get3A_862 = vector.shape_cast %get3A_861 : vector<1x16xi32> to vector<16xi32>
      %abs3A_863 = math.absi %get3A_862 : vector<16xi32>
      %broadcast_in_dim3A_864 = arith.constant 1 : i32
      %broadcast_in_dim3A_865 = vector.broadcast %broadcast_in_dim3A_864 : i32 to vector<16xi32>
      %min3A_866 = arith.minsi %abs3A_863, %broadcast_in_dim3A_865 : vector<16xi32>
      %swap3A_867 = arith.index_cast %add3A_858 : i32 to index
      %swap3A_868 = arith.constant 0 : index
      %swap3A_869 = tpu.vector_load %arg7[%swap3A_867, %swap3A_868] {strides = array<i32>} : memref<50x128xi32, #tpu.memory_space<vmem>>, vector<1x16xi32>,
      %swap3A_870 = vector.shape_cast %swap3A_869 : vector<1x16xi32> to vector<16xi32>
      %swap3A_871 = vector.shape_cast %min3A_866 : vector<16xi32> to vector<1x16xi32>
      tpu.vector_store %arg7[%swap3A_867, %swap3A_868], %swap3A_871 {strides = array<i32>} : memref<50x128xi32, #tpu.memory_space<vmem>>, vector<1x16xi32>,
      %get3A_872 = arith.index_cast %add3A_858 : i32 to index
      %get3A_873 = arith.constant 16 : index
      %get3A_874 = tpu.vector_load %arg6[%get3A_872, %get3A_873] {strides = array<i32>} : memref<50x128xi32, #tpu.memory_space<vmem>>, vector<1x16xi32>,
      %get3A_875 = vector.shape_cast %get3A_874 : vector<1x16xi32> to vector<16xi32>
      %abs3A_876 = math.absi %get3A_875 : vector<16xi32>
      %broadcast_in_dim3A_877 = arith.constant 1 : i32
      %broadcast_in_dim3A_878 = vector.broadcast %broadcast_in_dim3A_877 : i32 to vector<16xi32>
      %min3A_879 = arith.minsi %abs3A_876, %broadcast_in_dim3A_878 : vector<16xi32>
      %swap3A_880 = arith.index_cast %add3A_858 : i32 to index
      %swap3A_881 = arith.constant 16 : index
      %swap3A_882 = tpu.vector_load %arg7[%swap3A_880, %swap3A_881] {strides = array<i32>} : memref<50x128xi32, #tpu.memory_space<vmem>>, vector<1x16xi32>,
      %swap3A_883 = vector.shape_cast %swap3A_882 : vector<1x16xi32> to vector<16xi32>
      %swap3A_884 = vector.shape_cast %min3A_879 : vector<16xi32> to vector<1x16xi32>
      tpu.vector_store %arg7[%swap3A_880, %swap3A_881], %swap3A_884 {strides = array<i32>} : memref<50x128xi32, #tpu.memory_space<vmem>>, vector<1x16xi32>,
      %get3A_885 = arith.index_cast %add3A_858 : i32 to index
      %get3A_886 = arith.constant 32 : index
      %get3A_887 = tpu.vector_load %arg6[%get3A_885, %get3A_886] {strides = array<i32>} : memref<50x128xi32, #tpu.memory_space<vmem>>, vector<1x16xi32>,
      %get3A_888 = vector.shape_cast %get3A_887 : vector<1x16xi32> to vector<16xi32>
      %abs3A_889 = math.absi %get3A_888 : vector<16xi32>
      %broadcast_in_dim3A_890 = arith.constant 1 : i32
      %broadcast_in_dim3A_891 = vector.broadcast %broadcast_in_dim3A_890 : i32 to vector<16xi32>
      %min3A_892 = arith.minsi %abs3A_889, %broadcast_in_dim3A_891 : vector<16xi32>
      %swap3A_893 = arith.index_cast %add3A_858 : i32 to index
      %swap3A_894 = arith.constant 32 : index
      %swap3A_895 = tpu.vector_load %arg7[%swap3A_893, %swap3A_894] {strides = array<i32>} : memref<50x128xi32, #tpu.memory_space<vmem>>, vector<1x16xi32>,
      %swap3A_896 = vector.shape_cast %swap3A_895 : vector<1x16xi32> to vector<16xi32>
      %swap3A_897 = vector.shape_cast %min3A_892 : vector<16xi32> to vector<1x16xi32>
      tpu.vector_store %arg7[%swap3A_893, %swap3A_894], %swap3A_897 {strides = array<i32>} : memref<50x128xi32, #tpu.memory_space<vmem>>, vector<1x16xi32>,
      %get3A_898 = arith.index_cast %add3A_858 : i32 to index
      %get3A_899 = arith.constant 48 : index
      %get3A_900 = tpu.vector_load %arg6[%get3A_898, %get3A_899] {strides = array<i32>} : memref<50x128xi32, #tpu.memory_space<vmem>>, vector<1x16xi32>,
      %get3A_901 = vector.shape_cast %get3A_900 : vector<1x16xi32> to vector<16xi32>
      %abs3A_902 = math.absi %get3A_901 : vector<16xi32>
      %broadcast_in_dim3A_903 = arith.constant 1 : i32
      %broadcast_in_dim3A_904 = vector.broadcast %broadcast_in_dim3A_903 : i32 to vector<16xi32>
      %min3A_905 = arith.minsi %abs3A_902, %broadcast_in_dim3A_904 : vector<16xi32>
      %swap3A_906 = arith.index_cast %add3A_858 : i32 to index
      %swap3A_907 = arith.constant 48 : index
      %swap3A_908 = tpu.vector_load %arg7[%swap3A_906, %swap3A_907] {strides = array<i32>} : memref<50x128xi32, #tpu.memory_space<vmem>>, vector<1x16xi32>,
      %swap3A_909 = vector.shape_cast %swap3A_908 : vector<1x16xi32> to vector<16xi32>
      %swap3A_910 = vector.shape_cast %min3A_905 : vector<16xi32> to vector<1x16xi32>
      tpu.vector_store %arg7[%swap3A_906, %swap3A_907], %swap3A_910 {strides = array<i32>} : memref<50x128xi32, #tpu.memory_space<vmem>>, vector<1x16xi32>,
      %get3A_911 = arith.index_cast %add3A_858 : i32 to index
      %get3A_912 = arith.constant 64 : index
      %get3A_913 = tpu.vector_load %arg6[%get3A_911, %get3A_912] {strides = array<i32>} : memref<50x128xi32, #tpu.memory_space<vmem>>, vector<1x16xi32>,
      %get3A_914 = vector.shape_cast %get3A_913 : vector<1x16xi32> to vector<16xi32>
      %abs3A_915 = math.absi %get3A_914 : vector<16xi32>
      %broadcast_in_dim3A_916 = arith.constant 1 : i32
      %broadcast_in_dim3A_917 = vector.broadcast %broadcast_in_dim3A_916 : i32 to vector<16xi32>
      %min3A_918 = arith.minsi %abs3A_915, %broadcast_in_dim3A_917 : vector<16xi32>
      %swap3A_919 = arith.index_cast %add3A_858 : i32 to index
      %swap3A_920 = arith.constant 64 : index
      %swap3A_921 = tpu.vector_load %arg7[%swap3A_919, %swap3A_920] {strides = array<i32>} : memref<50x128xi32, #tpu.memory_space<vmem>>, vector<1x16xi32>,
      %swap3A_922 = vector.shape_cast %swap3A_921 : vector<1x16xi32> to vector<16xi32>
      %swap3A_923 = vector.shape_cast %min3A_918 : vector<16xi32> to vector<1x16xi32>
      tpu.vector_store %arg7[%swap3A_919, %swap3A_920], %swap3A_923 {strides = array<i32>} : memref<50x128xi32, #tpu.memory_space<vmem>>, vector<1x16xi32>,
      %get3A_924 = arith.index_cast %add3A_858 : i32 to index
      %get3A_925 = arith.constant 80 : index
      %get3A_926 = tpu.vector_load %arg6[%get3A_924, %get3A_925] {strides = array<i32>} : memref<50x128xi32, #tpu.memory_space<vmem>>, vector<1x16xi32>,
      %get3A_927 = vector.shape_cast %get3A_926 : vector<1x16xi32> to vector<16xi32>
      %abs3A_928 = math.absi %get3A_927 : vector<16xi32>
      %broadcast_in_dim3A_929 = arith.constant 1 : i32
      %broadcast_in_dim3A_930 = vector.broadcast %broadcast_in_dim3A_929 : i32 to vector<16xi32>
      %min3A_931 = arith.minsi %abs3A_928, %broadcast_in_dim3A_930 : vector<16xi32>
      %swap3A_932 = arith.index_cast %add3A_858 : i32 to index
      %swap3A_933 = arith.constant 80 : index
      %swap3A_934 = tpu.vector_load %arg7[%swap3A_932, %swap3A_933] {strides = array<i32>} : memref<50x128xi32, #tpu.memory_space<vmem>>, vector<1x16xi32>,
      %swap3A_935 = vector.shape_cast %swap3A_934 : vector<1x16xi32> to vector<16xi32>
      %swap3A_936 = vector.shape_cast %min3A_931 : vector<16xi32> to vector<1x16xi32>
      tpu.vector_store %arg7[%swap3A_932, %swap3A_933], %swap3A_936 {strides = array<i32>} : memref<50x128xi32, #tpu.memory_space<vmem>>, vector<1x16xi32>,
      %get3A_937 = arith.index_cast %add3A_858 : i32 to index
      %get3A_938 = arith.constant 96 : index
      %get3A_939 = tpu.vector_load %arg6[%get3A_937, %get3A_938] {strides = array<i32>} : memref<50x128xi32, #tpu.memory_space<vmem>>, vector<1x16xi32>,
      %get3A_940 = vector.shape_cast %get3A_939 : vector<1x16xi32> to vector<16xi32>
      %abs3A_941 = math.absi %get3A_940 : vector<16xi32>
      %broadcast_in_dim3A_942 = arith.constant 1 : i32
      %broadcast_in_dim3A_943 = vector.broadcast %broadcast_in_dim3A_942 : i32 to vector<16xi32>
      %min3A_944 = arith.minsi %abs3A_941, %broadcast_in_dim3A_943 : vector<16xi32>
      %swap3A_945 = arith.index_cast %add3A_858 : i32 to index
      %swap3A_946 = arith.constant 96 : index
      %swap3A_947 = tpu.vector_load %arg7[%swap3A_945, %swap3A_946] {strides = array<i32>} : memref<50x128xi32, #tpu.memory_space<vmem>>, vector<1x16xi32>,
      %swap3A_948 = vector.shape_cast %swap3A_947 : vector<1x16xi32> to vector<16xi32>
      %swap3A_949 = vector.shape_cast %min3A_944 : vector<16xi32> to vector<1x16xi32>
      tpu.vector_store %arg7[%swap3A_945, %swap3A_946], %swap3A_949 {strides = array<i32>} : memref<50x128xi32, #tpu.memory_space<vmem>>, vector<1x16xi32>,
      %get3A_950 = arith.index_cast %add3A_858 : i32 to index
      %get3A_951 = arith.constant 112 : index
      %get3A_952 = tpu.vector_load %arg6[%get3A_950, %get3A_951] {strides = array<i32>} : memref<50x128xi32, #tpu.memory_space<vmem>>, vector<1x16xi32>,
      %get3A_953 = vector.shape_cast %get3A_952 : vector<1x16xi32> to vector<16xi32>
      %abs3A_954 = math.absi %get3A_953 : vector<16xi32>
      %broadcast_in_dim3A_955 = arith.constant 1 : i32
      %broadcast_in_dim3A_956 = vector.broadcast %broadcast_in_dim3A_955 : i32 to vector<16xi32>
      %min3A_957 = arith.minsi %abs3A_954, %broadcast_in_dim3A_956 : vector<16xi32>
      %swap3A_958 = arith.index_cast %add3A_858 : i32 to index
      %swap3A_959 = arith.constant 112 : index
      %swap3A_960 = tpu.vector_load %arg7[%swap3A_958, %swap3A_959] {strides = array<i32>} : memref<50x128xi32, #tpu.memory_space<vmem>>, vector<1x16xi32>,
      %swap3A_961 = vector.shape_cast %swap3A_960 : vector<1x16xi32> to vector<16xi32>
      %swap3A_962 = vector.shape_cast %min3A_957 : vector<16xi32> to vector<1x16xi32>
      tpu.vector_store %arg7[%swap3A_958, %swap3A_959], %swap3A_962 {strides = array<i32>} : memref<50x128xi32, #tpu.memory_space<vmem>>, vector<1x16xi32>,
      %dma_wait3A_963 = arith.constant 0 : i32
      %dma_wait3A_964 = tpu.memref_slice %arg6[%add3A_858, %dma_wait3A_963] : memref<50x128xi32, #tpu.memory_space<vmem>> -> memref<1x128xi32, #tpu.memory_space<vmem>>
      %dma_wait3A_965 = tpu.memref_squeeze %dma_wait3A_964 : memref<1x128xi32, #tpu.memory_space<vmem>> -> memref<128xi32, #tpu.memory_space<vmem>>
      %dma_wait3A_966 = arith.constant 0 : i32
      %dma_wait3A_967 = arith.constant 0 : i32
      %dma_wait3A_968 = tpu.memref_slice %arg3[%dma_wait3A_966, %dma_wait3A_967] : memref<100000x128xf32, #tpu.memory_space<hbm>> -> memref<100000x128xf32, #tpu.memory_space<hbm>>
      tpu.wait_indirect_dma semaphore(%arg18 : memref<!tpu.dma_semaphore, #tpu.memory_space<semaphore_mem>>) src(%dma_wait3A_968 : memref<100000x128xf32, #tpu.memory_space<hbm>>) dst(%arg12 : memref<128x128xf32, #tpu.memory_space<vmem>>)
      %dma_start3A_969 = arith.constant 0 : i32
      %dma_start3A_970 = tpu.memref_slice %arg4[%add3A_858, %mul3A_2, %dma_start3A_969] : memref<50x4096x128xf32, #tpu.memory_space<hbm>> -> memref<1x128x128xf32, #tpu.memory_space<hbm>>
      %dma_start3A_971 = tpu.memref_squeeze %dma_start3A_970 : memref<1x128x128xf32, #tpu.memory_space<hbm>> -> memref<128x128xf32, #tpu.memory_space<hbm>>
      %dma_start3A_972 = arith.constant 0 : i32
      %dma_start3A_973 = tpu.memref_slice %arg4[%add3A_858, %mul3A_2, %dma_start3A_972] : memref<50x4096x128xf32, #tpu.memory_space<hbm>> -> memref<1x128x128xf32, #tpu.memory_space<hbm>>
      %dma_start3A_974 = tpu.memref_squeeze %dma_start3A_973 : memref<1x128x128xf32, #tpu.memory_space<hbm>> -> memref<128x128xf32, #tpu.memory_space<hbm>>
      tpu.enqueue_dma source(%arg12 : memref<128x128xf32, #tpu.memory_space<vmem>>) target(%dma_start3A_974 : memref<128x128xf32, #tpu.memory_space<hbm>>) target_semaphore(%arg24 : memref<!tpu.dma_semaphore, #tpu.memory_space<semaphore_mem>>)
      %add3A_975 = arith.constant 6 : i32
      %add3A_976 = arith.addi %add3A_858, %add3A_975 : i32
      %sub3A_977 = arith.constant 1 : i32
      %sub3A_978 = arith.subi %add3A_976, %sub3A_977 : i32
      %gt3A_979 = arith.constant 0 : i32
      %gt3A_980 = arith.cmpi sgt, %add3A_858, %gt3A_979 : i32
      %lt3A_981 = arith.constant 50 : i32
      %lt3A_982 = arith.cmpi slt, %sub3A_978, %lt3A_981 : i32
      %and3A_983 = arith.andi %gt3A_980, %lt3A_982 : i1
      %convert_element_type3A_984 = arith.extui %and3A_983 : i1 to i32
      %cond3A_985 = arith.constant 0 : i32
      %cond3A_986 = arith.cmpi ne, %convert_element_type3A_984, %cond3A_985 : i32
      scf.if %cond3A_986 {
        %sub3A_1119 = arith.constant 1 : i32
        %sub3A_1120 = arith.subi %add3A_858, %sub3A_1119 : i32
        %dma_wait3A_1121 = arith.constant 0 : i32
        %dma_wait3A_1122 = tpu.memref_slice %arg4[%sub3A_1120, %mul3A_2, %dma_wait3A_1121] : memref<50x4096x128xf32, #tpu.memory_space<hbm>> -> memref<1x128x128xf32, #tpu.memory_space<hbm>>
        %dma_wait3A_1123 = tpu.memref_squeeze %dma_wait3A_1122 : memref<1x128x128xf32, #tpu.memory_space<hbm>> -> memref<128x128xf32, #tpu.memory_space<hbm>>
        %dma_wait3A_1124 = arith.constant 0 : i32
        %dma_wait3A_1125 = tpu.memref_slice %arg4[%sub3A_1120, %mul3A_2, %dma_wait3A_1124] : memref<50x4096x128xf32, #tpu.memory_space<hbm>> -> memref<1x128x128xf32, #tpu.memory_space<hbm>>
        %dma_wait3A_1126 = tpu.memref_squeeze %dma_wait3A_1125 : memref<1x128x128xf32, #tpu.memory_space<hbm>> -> memref<128x128xf32, #tpu.memory_space<hbm>>
        tpu.wait_dma2 semaphore(%arg23 : memref<!tpu.dma_semaphore, #tpu.memory_space<semaphore_mem>>) src(%arg11 : memref<128x128xf32, #tpu.memory_space<vmem>>) dst(%dma_wait3A_1126 : memref<128x128xf32, #tpu.memory_space<hbm>>)
        %dma_start3A_1127 = arith.constant 0 : i32
        %dma_start3A_1128 = tpu.memref_slice %arg6[%sub3A_978, %dma_start3A_1127] : memref<50x128xi32, #tpu.memory_space<vmem>> -> memref<1x128xi32, #tpu.memory_space<vmem>>
        %dma_start3A_1129 = tpu.memref_squeeze %dma_start3A_1128 : memref<1x128xi32, #tpu.memory_space<vmem>> -> memref<128xi32, #tpu.memory_space<vmem>>
        %dma_start3A_1130 = arith.constant 0 : i32
        %dma_start3A_1131 = arith.constant 0 : i32
        %dma_start3A_1132 = tpu.memref_slice %arg3[%dma_start3A_1130, %dma_start3A_1131] : memref<100000x128xf32, #tpu.memory_space<hbm>> -> memref<100000x128xf32, #tpu.memory_space<hbm>>
        tpu.enqueue_indirect_dma source(%dma_start3A_1132 : memref<100000x128xf32, #tpu.memory_space<hbm>>) target(%arg11 : memref<128x128xf32, #tpu.memory_space<vmem>>) offsets(%dma_start3A_1129 : memref<128xi32, #tpu.memory_space<vmem>>) semaphore(%arg17 : memref<!tpu.dma_semaphore, #tpu.memory_space<semaphore_mem>>)
      } else {
      }
      %mul3A_987 = arith.constant 6 : i32
      %mul3A_988 = arith.muli %scan3A_332, %mul3A_987 : i32
      %add3A_989 = arith.constant 5 : i32
      %add3A_990 = arith.addi %mul3A_988, %add3A_989 : i32
      %get3A_991 = arith.index_cast %add3A_990 : i32 to index
      %get3A_992 = arith.constant 0 : index
      %get3A_993 = tpu.vector_load %arg6[%get3A_991, %get3A_992] {strides = array<i32>} : memref<50x128xi32, #tpu.memory_space<vmem>>, vector<1x16xi32>,
      %get3A_994 = vector.shape_cast %get3A_993 : vector<1x16xi32> to vector<16xi32>
      %abs3A_995 = math.absi %get3A_994 : vector<16xi32>
      %broadcast_in_dim3A_996 = arith.constant 1 : i32
      %broadcast_in_dim3A_997 = vector.broadcast %broadcast_in_dim3A_996 : i32 to vector<16xi32>
      %min3A_998 = arith.minsi %abs3A_995, %broadcast_in_dim3A_997 : vector<16xi32>
      %swap3A_999 = arith.index_cast %add3A_990 : i32 to index
      %swap3A_1000 = arith.constant 0 : index
      %swap3A_1001 = tpu.vector_load %arg7[%swap3A_999, %swap3A_1000] {strides = array<i32>} : memref<50x128xi32, #tpu.memory_space<vmem>>, vector<1x16xi32>,
      %swap3A_1002 = vector.shape_cast %swap3A_1001 : vector<1x16xi32> to vector<16xi32>
      %swap3A_1003 = vector.shape_cast %min3A_998 : vector<16xi32> to vector<1x16xi32>
      tpu.vector_store %arg7[%swap3A_999, %swap3A_1000], %swap3A_1003 {strides = array<i32>} : memref<50x128xi32, #tpu.memory_space<vmem>>, vector<1x16xi32>,
      %get3A_1004 = arith.index_cast %add3A_990 : i32 to index
      %get3A_1005 = arith.constant 16 : index
      %get3A_1006 = tpu.vector_load %arg6[%get3A_1004, %get3A_1005] {strides = array<i32>} : memref<50x128xi32, #tpu.memory_space<vmem>>, vector<1x16xi32>,
      %get3A_1007 = vector.shape_cast %get3A_1006 : vector<1x16xi32> to vector<16xi32>
      %abs3A_1008 = math.absi %get3A_1007 : vector<16xi32>
      %broadcast_in_dim3A_1009 = arith.constant 1 : i32
      %broadcast_in_dim3A_1010 = vector.broadcast %broadcast_in_dim3A_1009 : i32 to vector<16xi32>
      %min3A_1011 = arith.minsi %abs3A_1008, %broadcast_in_dim3A_1010 : vector<16xi32>
      %swap3A_1012 = arith.index_cast %add3A_990 : i32 to index
      %swap3A_1013 = arith.constant 16 : index
      %swap3A_1014 = tpu.vector_load %arg7[%swap3A_1012, %swap3A_1013] {strides = array<i32>} : memref<50x128xi32, #tpu.memory_space<vmem>>, vector<1x16xi32>,
      %swap3A_1015 = vector.shape_cast %swap3A_1014 : vector<1x16xi32> to vector<16xi32>
      %swap3A_1016 = vector.shape_cast %min3A_1011 : vector<16xi32> to vector<1x16xi32>
      tpu.vector_store %arg7[%swap3A_1012, %swap3A_1013], %swap3A_1016 {strides = array<i32>} : memref<50x128xi32, #tpu.memory_space<vmem>>, vector<1x16xi32>,
      %get3A_1017 = arith.index_cast %add3A_990 : i32 to index
      %get3A_1018 = arith.constant 32 : index
      %get3A_1019 = tpu.vector_load %arg6[%get3A_1017, %get3A_1018] {strides = array<i32>} : memref<50x128xi32, #tpu.memory_space<vmem>>, vector<1x16xi32>,
      %get3A_1020 = vector.shape_cast %get3A_1019 : vector<1x16xi32> to vector<16xi32>
      %abs3A_1021 = math.absi %get3A_1020 : vector<16xi32>
      %broadcast_in_dim3A_1022 = arith.constant 1 : i32
      %broadcast_in_dim3A_1023 = vector.broadcast %broadcast_in_dim3A_1022 : i32 to vector<16xi32>
      %min3A_1024 = arith.minsi %abs3A_1021, %broadcast_in_dim3A_1023 : vector<16xi32>
      %swap3A_1025 = arith.index_cast %add3A_990 : i32 to index
      %swap3A_1026 = arith.constant 32 : index
      %swap3A_1027 = tpu.vector_load %arg7[%swap3A_1025, %swap3A_1026] {strides = array<i32>} : memref<50x128xi32, #tpu.memory_space<vmem>>, vector<1x16xi32>,
      %swap3A_1028 = vector.shape_cast %swap3A_1027 : vector<1x16xi32> to vector<16xi32>
      %swap3A_1029 = vector.shape_cast %min3A_1024 : vector<16xi32> to vector<1x16xi32>
      tpu.vector_store %arg7[%swap3A_1025, %swap3A_1026], %swap3A_1029 {strides = array<i32>} : memref<50x128xi32, #tpu.memory_space<vmem>>, vector<1x16xi32>,
      %get3A_1030 = arith.index_cast %add3A_990 : i32 to index
      %get3A_1031 = arith.constant 48 : index
      %get3A_1032 = tpu.vector_load %arg6[%get3A_1030, %get3A_1031] {strides = array<i32>} : memref<50x128xi32, #tpu.memory_space<vmem>>, vector<1x16xi32>,
      %get3A_1033 = vector.shape_cast %get3A_1032 : vector<1x16xi32> to vector<16xi32>
      %abs3A_1034 = math.absi %get3A_1033 : vector<16xi32>
      %broadcast_in_dim3A_1035 = arith.constant 1 : i32
      %broadcast_in_dim3A_1036 = vector.broadcast %broadcast_in_dim3A_1035 : i32 to vector<16xi32>
      %min3A_1037 = arith.minsi %abs3A_1034, %broadcast_in_dim3A_1036 : vector<16xi32>
      %swap3A_1038 = arith.index_cast %add3A_990 : i32 to index
      %swap3A_1039 = arith.constant 48 : index
      %swap3A_1040 = tpu.vector_load %arg7[%swap3A_1038, %swap3A_1039] {strides = array<i32>} : memref<50x128xi32, #tpu.memory_space<vmem>>, vector<1x16xi32>,
      %swap3A_1041 = vector.shape_cast %swap3A_1040 : vector<1x16xi32> to vector<16xi32>
      %swap3A_1042 = vector.shape_cast %min3A_1037 : vector<16xi32> to vector<1x16xi32>
      tpu.vector_store %arg7[%swap3A_1038, %swap3A_1039], %swap3A_1042 {strides = array<i32>} : memref<50x128xi32, #tpu.memory_space<vmem>>, vector<1x16xi32>,
      %get3A_1043 = arith.index_cast %add3A_990 : i32 to index
      %get3A_1044 = arith.constant 64 : index
      %get3A_1045 = tpu.vector_load %arg6[%get3A_1043, %get3A_1044] {strides = array<i32>} : memref<50x128xi32, #tpu.memory_space<vmem>>, vector<1x16xi32>,
      %get3A_1046 = vector.shape_cast %get3A_1045 : vector<1x16xi32> to vector<16xi32>
      %abs3A_1047 = math.absi %get3A_1046 : vector<16xi32>
      %broadcast_in_dim3A_1048 = arith.constant 1 : i32
      %broadcast_in_dim3A_1049 = vector.broadcast %broadcast_in_dim3A_1048 : i32 to vector<16xi32>
      %min3A_1050 = arith.minsi %abs3A_1047, %broadcast_in_dim3A_1049 : vector<16xi32>
      %swap3A_1051 = arith.index_cast %add3A_990 : i32 to index
      %swap3A_1052 = arith.constant 64 : index
      %swap3A_1053 = tpu.vector_load %arg7[%swap3A_1051, %swap3A_1052] {strides = array<i32>} : memref<50x128xi32, #tpu.memory_space<vmem>>, vector<1x16xi32>,
      %swap3A_1054 = vector.shape_cast %swap3A_1053 : vector<1x16xi32> to vector<16xi32>
      %swap3A_1055 = vector.shape_cast %min3A_1050 : vector<16xi32> to vector<1x16xi32>
      tpu.vector_store %arg7[%swap3A_1051, %swap3A_1052], %swap3A_1055 {strides = array<i32>} : memref<50x128xi32, #tpu.memory_space<vmem>>, vector<1x16xi32>,
      %get3A_1056 = arith.index_cast %add3A_990 : i32 to index
      %get3A_1057 = arith.constant 80 : index
      %get3A_1058 = tpu.vector_load %arg6[%get3A_1056, %get3A_1057] {strides = array<i32>} : memref<50x128xi32, #tpu.memory_space<vmem>>, vector<1x16xi32>,
      %get3A_1059 = vector.shape_cast %get3A_1058 : vector<1x16xi32> to vector<16xi32>
      %abs3A_1060 = math.absi %get3A_1059 : vector<16xi32>
      %broadcast_in_dim3A_1061 = arith.constant 1 : i32
      %broadcast_in_dim3A_1062 = vector.broadcast %broadcast_in_dim3A_1061 : i32 to vector<16xi32>
      %min3A_1063 = arith.minsi %abs3A_1060, %broadcast_in_dim3A_1062 : vector<16xi32>
      %swap3A_1064 = arith.index_cast %add3A_990 : i32 to index
      %swap3A_1065 = arith.constant 80 : index
      %swap3A_1066 = tpu.vector_load %arg7[%swap3A_1064, %swap3A_1065] {strides = array<i32>} : memref<50x128xi32, #tpu.memory_space<vmem>>, vector<1x16xi32>,
      %swap3A_1067 = vector.shape_cast %swap3A_1066 : vector<1x16xi32> to vector<16xi32>
      %swap3A_1068 = vector.shape_cast %min3A_1063 : vector<16xi32> to vector<1x16xi32>
      tpu.vector_store %arg7[%swap3A_1064, %swap3A_1065], %swap3A_1068 {strides = array<i32>} : memref<50x128xi32, #tpu.memory_space<vmem>>, vector<1x16xi32>,
      %get3A_1069 = arith.index_cast %add3A_990 : i32 to index
      %get3A_1070 = arith.constant 96 : index
      %get3A_1071 = tpu.vector_load %arg6[%get3A_1069, %get3A_1070] {strides = array<i32>} : memref<50x128xi32, #tpu.memory_space<vmem>>, vector<1x16xi32>,
      %get3A_1072 = vector.shape_cast %get3A_1071 : vector<1x16xi32> to vector<16xi32>
      %abs3A_1073 = math.absi %get3A_1072 : vector<16xi32>
      %broadcast_in_dim3A_1074 = arith.constant 1 : i32
      %broadcast_in_dim3A_1075 = vector.broadcast %broadcast_in_dim3A_1074 : i32 to vector<16xi32>
      %min3A_1076 = arith.minsi %abs3A_1073, %broadcast_in_dim3A_1075 : vector<16xi32>
      %swap3A_1077 = arith.index_cast %add3A_990 : i32 to index
      %swap3A_1078 = arith.constant 96 : index
      %swap3A_1079 = tpu.vector_load %arg7[%swap3A_1077, %swap3A_1078] {strides = array<i32>} : memref<50x128xi32, #tpu.memory_space<vmem>>, vector<1x16xi32>,
      %swap3A_1080 = vector.shape_cast %swap3A_1079 : vector<1x16xi32> to vector<16xi32>
      %swap3A_1081 = vector.shape_cast %min3A_1076 : vector<16xi32> to vector<1x16xi32>
      tpu.vector_store %arg7[%swap3A_1077, %swap3A_1078], %swap3A_1081 {strides = array<i32>} : memref<50x128xi32, #tpu.memory_space<vmem>>, vector<1x16xi32>,
      %get3A_1082 = arith.index_cast %add3A_990 : i32 to index
      %get3A_1083 = arith.constant 112 : index
      %get3A_1084 = tpu.vector_load %arg6[%get3A_1082, %get3A_1083] {strides = array<i32>} : memref<50x128xi32, #tpu.memory_space<vmem>>, vector<1x16xi32>,
      %get3A_1085 = vector.shape_cast %get3A_1084 : vector<1x16xi32> to vector<16xi32>
      %abs3A_1086 = math.absi %get3A_1085 : vector<16xi32>
      %broadcast_in_dim3A_1087 = arith.constant 1 : i32
      %broadcast_in_dim3A_1088 = vector.broadcast %broadcast_in_dim3A_1087 : i32 to vector<16xi32>
      %min3A_1089 = arith.minsi %abs3A_1086, %broadcast_in_dim3A_1088 : vector<16xi32>
      %swap3A_1090 = arith.index_cast %add3A_990 : i32 to index
      %swap3A_1091 = arith.constant 112 : index
      %swap3A_1092 = tpu.vector_load %arg7[%swap3A_1090, %swap3A_1091] {strides = array<i32>} : memref<50x128xi32, #tpu.memory_space<vmem>>, vector<1x16xi32>,
      %swap3A_1093 = vector.shape_cast %swap3A_1092 : vector<1x16xi32> to vector<16xi32>
      %swap3A_1094 = vector.shape_cast %min3A_1089 : vector<16xi32> to vector<1x16xi32>
      tpu.vector_store %arg7[%swap3A_1090, %swap3A_1091], %swap3A_1094 {strides = array<i32>} : memref<50x128xi32, #tpu.memory_space<vmem>>, vector<1x16xi32>,
      %dma_wait3A_1095 = arith.constant 0 : i32
      %dma_wait3A_1096 = tpu.memref_slice %arg6[%add3A_990, %dma_wait3A_1095] : memref<50x128xi32, #tpu.memory_space<vmem>> -> memref<1x128xi32, #tpu.memory_space<vmem>>
      %dma_wait3A_1097 = tpu.memref_squeeze %dma_wait3A_1096 : memref<1x128xi32, #tpu.memory_space<vmem>> -> memref<128xi32, #tpu.memory_space<vmem>>
      %dma_wait3A_1098 = arith.constant 0 : i32
      %dma_wait3A_1099 = arith.constant 0 : i32
      %dma_wait3A_1100 = tpu.memref_slice %arg3[%dma_wait3A_1098, %dma_wait3A_1099] : memref<100000x128xf32, #tpu.memory_space<hbm>> -> memref<100000x128xf32, #tpu.memory_space<hbm>>
      tpu.wait_indirect_dma semaphore(%arg19 : memref<!tpu.dma_semaphore, #tpu.memory_space<semaphore_mem>>) src(%dma_wait3A_1100 : memref<100000x128xf32, #tpu.memory_space<hbm>>) dst(%arg13 : memref<128x128xf32, #tpu.memory_space<vmem>>)
      %dma_start3A_1101 = arith.constant 0 : i32
      %dma_start3A_1102 = tpu.memref_slice %arg4[%add3A_990, %mul3A_2, %dma_start3A_1101] : memref<50x4096x128xf32, #tpu.memory_space<hbm>> -> memref<1x128x128xf32, #tpu.memory_space<hbm>>
      %dma_start3A_1103 = tpu.memref_squeeze %dma_start3A_1102 : memref<1x128x128xf32, #tpu.memory_space<hbm>> -> memref<128x128xf32, #tpu.memory_space<hbm>>
      %dma_start3A_1104 = arith.constant 0 : i32
      %dma_start3A_1105 = tpu.memref_slice %arg4[%add3A_990, %mul3A_2, %dma_start3A_1104] : memref<50x4096x128xf32, #tpu.memory_space<hbm>> -> memref<1x128x128xf32, #tpu.memory_space<hbm>>
      %dma_start3A_1106 = tpu.memref_squeeze %dma_start3A_1105 : memref<1x128x128xf32, #tpu.memory_space<hbm>> -> memref<128x128xf32, #tpu.memory_space<hbm>>
      tpu.enqueue_dma source(%arg13 : memref<128x128xf32, #tpu.memory_space<vmem>>) target(%dma_start3A_1106 : memref<128x128xf32, #tpu.memory_space<hbm>>) target_semaphore(%arg25 : memref<!tpu.dma_semaphore, #tpu.memory_space<semaphore_mem>>)
      %add3A_1107 = arith.constant 6 : i32
      %add3A_1108 = arith.addi %add3A_990, %add3A_1107 : i32
      %sub3A_1109 = arith.constant 1 : i32
      %sub3A_1110 = arith.subi %add3A_1108, %sub3A_1109 : i32
      %gt3A_1111 = arith.constant 0 : i32
      %gt3A_1112 = arith.cmpi sgt, %add3A_990, %gt3A_1111 : i32
      %lt3A_1113 = arith.constant 50 : i32
      %lt3A_1114 = arith.cmpi slt, %sub3A_1110, %lt3A_1113 : i32
      %and3A_1115 = arith.andi %gt3A_1112, %lt3A_1114 : i1
      %convert_element_type3A_1116 = arith.extui %and3A_1115 : i1 to i32
      %cond3A_1117 = arith.constant 0 : i32
      %cond3A_1118 = arith.cmpi ne, %convert_element_type3A_1116, %cond3A_1117 : i32
      scf.if %cond3A_1118 {
        %sub3A_1119 = arith.constant 1 : i32
        %sub3A_1120 = arith.subi %add3A_990, %sub3A_1119 : i32
        %dma_wait3A_1121 = arith.constant 0 : i32
        %dma_wait3A_1122 = tpu.memref_slice %arg4[%sub3A_1120, %mul3A_2, %dma_wait3A_1121] : memref<50x4096x128xf32, #tpu.memory_space<hbm>> -> memref<1x128x128xf32, #tpu.memory_space<hbm>>
        %dma_wait3A_1123 = tpu.memref_squeeze %dma_wait3A_1122 : memref<1x128x128xf32, #tpu.memory_space<hbm>> -> memref<128x128xf32, #tpu.memory_space<hbm>>
        %dma_wait3A_1124 = arith.constant 0 : i32
        %dma_wait3A_1125 = tpu.memref_slice %arg4[%sub3A_1120, %mul3A_2, %dma_wait3A_1124] : memref<50x4096x128xf32, #tpu.memory_space<hbm>> -> memref<1x128x128xf32, #tpu.memory_space<hbm>>
        %dma_wait3A_1126 = tpu.memref_squeeze %dma_wait3A_1125 : memref<1x128x128xf32, #tpu.memory_space<hbm>> -> memref<128x128xf32, #tpu.memory_space<hbm>>
        tpu.wait_dma2 semaphore(%arg24 : memref<!tpu.dma_semaphore, #tpu.memory_space<semaphore_mem>>) src(%arg12 : memref<128x128xf32, #tpu.memory_space<vmem>>) dst(%dma_wait3A_1126 : memref<128x128xf32, #tpu.memory_space<hbm>>)
        %dma_start3A_1127 = arith.constant 0 : i32
        %dma_start3A_1128 = tpu.memref_slice %arg6[%sub3A_1110, %dma_start3A_1127] : memref<50x128xi32, #tpu.memory_space<vmem>> -> memref<1x128xi32, #tpu.memory_space<vmem>>
        %dma_start3A_1129 = tpu.memref_squeeze %dma_start3A_1128 : memref<1x128xi32, #tpu.memory_space<vmem>> -> memref<128xi32, #tpu.memory_space<vmem>>
        %dma_start3A_1130 = arith.constant 0 : i32
        %dma_start3A_1131 = arith.constant 0 : i32
        %dma_start3A_1132 = tpu.memref_slice %arg3[%dma_start3A_1130, %dma_start3A_1131] : memref<100000x128xf32, #tpu.memory_space<hbm>> -> memref<100000x128xf32, #tpu.memory_space<hbm>>
        tpu.enqueue_indirect_dma source(%dma_start3A_1132 : memref<100000x128xf32, #tpu.memory_space<hbm>>) target(%arg12 : memref<128x128xf32, #tpu.memory_space<vmem>>) offsets(%dma_start3A_1129 : memref<128xi32, #tpu.memory_space<vmem>>) semaphore(%arg18 : memref<!tpu.dma_semaphore, #tpu.memory_space<semaphore_mem>>)
      } else {
      }
    }
    %scan3A_48 = arith.constant 8 : i32
    %get3A = arith.constant 48 : i32
    %get3A_49 = arith.index_cast %get3A : i32 to index
    %get3A_50 = arith.constant 0 : index
    %get3A_51 = tpu.vector_load %arg6[%get3A_49, %get3A_50] {strides = array<i32>} : memref<50x128xi32, #tpu.memory_space<vmem>>, vector<1x16xi32>,
    %get3A_52 = vector.shape_cast %get3A_51 : vector<1x16xi32> to vector<16xi32>
    %abs3A = math.absi %get3A_52 : vector<16xi32>
    %broadcast_in_dim3A = arith.constant 1 : i32
    %broadcast_in_dim3A_53 = vector.broadcast %broadcast_in_dim3A : i32 to vector<16xi32>
    %min3A = arith.minsi %abs3A, %broadcast_in_dim3A_53 : vector<16xi32>
    %swap3A = arith.constant 48 : i32
    %swap3A_54 = arith.index_cast %swap3A : i32 to index
    %swap3A_55 = arith.constant 0 : index
    %swap3A_56 = tpu.vector_load %arg7[%swap3A_54, %swap3A_55] {strides = array<i32>} : memref<50x128xi32, #tpu.memory_space<vmem>>, vector<1x16xi32>,
    %swap3A_57 = vector.shape_cast %swap3A_56 : vector<1x16xi32> to vector<16xi32>
    %swap3A_58 = vector.shape_cast %min3A : vector<16xi32> to vector<1x16xi32>
    tpu.vector_store %arg7[%swap3A_54, %swap3A_55], %swap3A_58 {strides = array<i32>} : memref<50x128xi32, #tpu.memory_space<vmem>>, vector<1x16xi32>,
    %get3A_59 = arith.constant 48 : i32
    %get3A_60 = arith.index_cast %get3A_59 : i32 to index
    %get3A_61 = arith.constant 16 : index
    %get3A_62 = tpu.vector_load %arg6[%get3A_60, %get3A_61] {strides = array<i32>} : memref<50x128xi32, #tpu.memory_space<vmem>>, vector<1x16xi32>,
    %get3A_63 = vector.shape_cast %get3A_62 : vector<1x16xi32> to vector<16xi32>
    %abs3A_64 = math.absi %get3A_63 : vector<16xi32>
    %broadcast_in_dim3A_65 = arith.constant 1 : i32
    %broadcast_in_dim3A_66 = vector.broadcast %broadcast_in_dim3A_65 : i32 to vector<16xi32>
    %min3A_67 = arith.minsi %abs3A_64, %broadcast_in_dim3A_66 : vector<16xi32>
    %swap3A_68 = arith.constant 48 : i32
    %swap3A_69 = arith.index_cast %swap3A_68 : i32 to index
    %swap3A_70 = arith.constant 16 : index
    %swap3A_71 = tpu.vector_load %arg7[%swap3A_69, %swap3A_70] {strides = array<i32>} : memref<50x128xi32, #tpu.memory_space<vmem>>, vector<1x16xi32>,
    %swap3A_72 = vector.shape_cast %swap3A_71 : vector<1x16xi32> to vector<16xi32>
    %swap3A_73 = vector.shape_cast %min3A_67 : vector<16xi32> to vector<1x16xi32>
    tpu.vector_store %arg7[%swap3A_69, %swap3A_70], %swap3A_73 {strides = array<i32>} : memref<50x128xi32, #tpu.memory_space<vmem>>, vector<1x16xi32>,
    %get3A_74 = arith.constant 48 : i32
    %get3A_75 = arith.index_cast %get3A_74 : i32 to index
    %get3A_76 = arith.constant 32 : index
    %get3A_77 = tpu.vector_load %arg6[%get3A_75, %get3A_76] {strides = array<i32>} : memref<50x128xi32, #tpu.memory_space<vmem>>, vector<1x16xi32>,
    %get3A_78 = vector.shape_cast %get3A_77 : vector<1x16xi32> to vector<16xi32>
    %abs3A_79 = math.absi %get3A_78 : vector<16xi32>
    %broadcast_in_dim3A_80 = arith.constant 1 : i32
    %broadcast_in_dim3A_81 = vector.broadcast %broadcast_in_dim3A_80 : i32 to vector<16xi32>
    %min3A_82 = arith.minsi %abs3A_79, %broadcast_in_dim3A_81 : vector<16xi32>
    %swap3A_83 = arith.constant 48 : i32
    %swap3A_84 = arith.index_cast %swap3A_83 : i32 to index
    %swap3A_85 = arith.constant 32 : index
    %swap3A_86 = tpu.vector_load %arg7[%swap3A_84, %swap3A_85] {strides = array<i32>} : memref<50x128xi32, #tpu.memory_space<vmem>>, vector<1x16xi32>,
    %swap3A_87 = vector.shape_cast %swap3A_86 : vector<1x16xi32> to vector<16xi32>
    %swap3A_88 = vector.shape_cast %min3A_82 : vector<16xi32> to vector<1x16xi32>
    tpu.vector_store %arg7[%swap3A_84, %swap3A_85], %swap3A_88 {strides = array<i32>} : memref<50x128xi32, #tpu.memory_space<vmem>>, vector<1x16xi32>,
    %get3A_89 = arith.constant 48 : i32
    %get3A_90 = arith.index_cast %get3A_89 : i32 to index
    %get3A_91 = arith.constant 48 : index
    %get3A_92 = tpu.vector_load %arg6[%get3A_90, %get3A_91] {strides = array<i32>} : memref<50x128xi32, #tpu.memory_space<vmem>>, vector<1x16xi32>,
    %get3A_93 = vector.shape_cast %get3A_92 : vector<1x16xi32> to vector<16xi32>
    %abs3A_94 = math.absi %get3A_93 : vector<16xi32>
    %broadcast_in_dim3A_95 = arith.constant 1 : i32
    %broadcast_in_dim3A_96 = vector.broadcast %broadcast_in_dim3A_95 : i32 to vector<16xi32>
    %min3A_97 = arith.minsi %abs3A_94, %broadcast_in_dim3A_96 : vector<16xi32>
    %swap3A_98 = arith.constant 48 : i32
    %swap3A_99 = arith.index_cast %swap3A_98 : i32 to index
    %swap3A_100 = arith.constant 48 : index
    %swap3A_101 = tpu.vector_load %arg7[%swap3A_99, %swap3A_100] {strides = array<i32>} : memref<50x128xi32, #tpu.memory_space<vmem>>, vector<1x16xi32>,
    %swap3A_102 = vector.shape_cast %swap3A_101 : vector<1x16xi32> to vector<16xi32>
    %swap3A_103 = vector.shape_cast %min3A_97 : vector<16xi32> to vector<1x16xi32>
    tpu.vector_store %arg7[%swap3A_99, %swap3A_100], %swap3A_103 {strides = array<i32>} : memref<50x128xi32, #tpu.memory_space<vmem>>, vector<1x16xi32>,
    %get3A_104 = arith.constant 48 : i32
    %get3A_105 = arith.index_cast %get3A_104 : i32 to index
    %get3A_106 = arith.constant 64 : index
    %get3A_107 = tpu.vector_load %arg6[%get3A_105, %get3A_106] {strides = array<i32>} : memref<50x128xi32, #tpu.memory_space<vmem>>, vector<1x16xi32>,
    %get3A_108 = vector.shape_cast %get3A_107 : vector<1x16xi32> to vector<16xi32>
    %abs3A_109 = math.absi %get3A_108 : vector<16xi32>
    %broadcast_in_dim3A_110 = arith.constant 1 : i32
    %broadcast_in_dim3A_111 = vector.broadcast %broadcast_in_dim3A_110 : i32 to vector<16xi32>
    %min3A_112 = arith.minsi %abs3A_109, %broadcast_in_dim3A_111 : vector<16xi32>
    %swap3A_113 = arith.constant 48 : i32
    %swap3A_114 = arith.index_cast %swap3A_113 : i32 to index
    %swap3A_115 = arith.constant 64 : index
    %swap3A_116 = tpu.vector_load %arg7[%swap3A_114, %swap3A_115] {strides = array<i32>} : memref<50x128xi32, #tpu.memory_space<vmem>>, vector<1x16xi32>,
    %swap3A_117 = vector.shape_cast %swap3A_116 : vector<1x16xi32> to vector<16xi32>
    %swap3A_118 = vector.shape_cast %min3A_112 : vector<16xi32> to vector<1x16xi32>
    tpu.vector_store %arg7[%swap3A_114, %swap3A_115], %swap3A_118 {strides = array<i32>} : memref<50x128xi32, #tpu.memory_space<vmem>>, vector<1x16xi32>,
    %get3A_119 = arith.constant 48 : i32
    %get3A_120 = arith.index_cast %get3A_119 : i32 to index
    %get3A_121 = arith.constant 80 : index
    %get3A_122 = tpu.vector_load %arg6[%get3A_120, %get3A_121] {strides = array<i32>} : memref<50x128xi32, #tpu.memory_space<vmem>>, vector<1x16xi32>,
    %get3A_123 = vector.shape_cast %get3A_122 : vector<1x16xi32> to vector<16xi32>
    %abs3A_124 = math.absi %get3A_123 : vector<16xi32>
    %broadcast_in_dim3A_125 = arith.constant 1 : i32
    %broadcast_in_dim3A_126 = vector.broadcast %broadcast_in_dim3A_125 : i32 to vector<16xi32>
    %min3A_127 = arith.minsi %abs3A_124, %broadcast_in_dim3A_126 : vector<16xi32>
    %swap3A_128 = arith.constant 48 : i32
    %swap3A_129 = arith.index_cast %swap3A_128 : i32 to index
    %swap3A_130 = arith.constant 80 : index
    %swap3A_131 = tpu.vector_load %arg7[%swap3A_129, %swap3A_130] {strides = array<i32>} : memref<50x128xi32, #tpu.memory_space<vmem>>, vector<1x16xi32>,
    %swap3A_132 = vector.shape_cast %swap3A_131 : vector<1x16xi32> to vector<16xi32>
    %swap3A_133 = vector.shape_cast %min3A_127 : vector<16xi32> to vector<1x16xi32>
    tpu.vector_store %arg7[%swap3A_129, %swap3A_130], %swap3A_133 {strides = array<i32>} : memref<50x128xi32, #tpu.memory_space<vmem>>, vector<1x16xi32>,
    %get3A_134 = arith.constant 48 : i32
    %get3A_135 = arith.index_cast %get3A_134 : i32 to index
    %get3A_136 = arith.constant 96 : index
    %get3A_137 = tpu.vector_load %arg6[%get3A_135, %get3A_136] {strides = array<i32>} : memref<50x128xi32, #tpu.memory_space<vmem>>, vector<1x16xi32>,
    %get3A_138 = vector.shape_cast %get3A_137 : vector<1x16xi32> to vector<16xi32>
    %abs3A_139 = math.absi %get3A_138 : vector<16xi32>
    %broadcast_in_dim3A_140 = arith.constant 1 : i32
    %broadcast_in_dim3A_141 = vector.broadcast %broadcast_in_dim3A_140 : i32 to vector<16xi32>
    %min3A_142 = arith.minsi %abs3A_139, %broadcast_in_dim3A_141 : vector<16xi32>
    %swap3A_143 = arith.constant 48 : i32
    %swap3A_144 = arith.index_cast %swap3A_143 : i32 to index
    %swap3A_145 = arith.constant 96 : index
    %swap3A_146 = tpu.vector_load %arg7[%swap3A_144, %swap3A_145] {strides = array<i32>} : memref<50x128xi32, #tpu.memory_space<vmem>>, vector<1x16xi32>,
    %swap3A_147 = vector.shape_cast %swap3A_146 : vector<1x16xi32> to vector<16xi32>
    %swap3A_148 = vector.shape_cast %min3A_142 : vector<16xi32> to vector<1x16xi32>
    tpu.vector_store %arg7[%swap3A_144, %swap3A_145], %swap3A_148 {strides = array<i32>} : memref<50x128xi32, #tpu.memory_space<vmem>>, vector<1x16xi32>,
    %get3A_149 = arith.constant 48 : i32
    %get3A_150 = arith.index_cast %get3A_149 : i32 to index
    %get3A_151 = arith.constant 112 : index
    %get3A_152 = tpu.vector_load %arg6[%get3A_150, %get3A_151] {strides = array<i32>} : memref<50x128xi32, #tpu.memory_space<vmem>>, vector<1x16xi32>,
    %get3A_153 = vector.shape_cast %get3A_152 : vector<1x16xi32> to vector<16xi32>
    %abs3A_154 = math.absi %get3A_153 : vector<16xi32>
    %broadcast_in_dim3A_155 = arith.constant 1 : i32
    %broadcast_in_dim3A_156 = vector.broadcast %broadcast_in_dim3A_155 : i32 to vector<16xi32>
    %min3A_157 = arith.minsi %abs3A_154, %broadcast_in_dim3A_156 : vector<16xi32>
    %swap3A_158 = arith.constant 48 : i32
    %swap3A_159 = arith.index_cast %swap3A_158 : i32 to index
    %swap3A_160 = arith.constant 112 : index
    %swap3A_161 = tpu.vector_load %arg7[%swap3A_159, %swap3A_160] {strides = array<i32>} : memref<50x128xi32, #tpu.memory_space<vmem>>, vector<1x16xi32>,
    %swap3A_162 = vector.shape_cast %swap3A_161 : vector<1x16xi32> to vector<16xi32>
    %swap3A_163 = vector.shape_cast %min3A_157 : vector<16xi32> to vector<1x16xi32>
    tpu.vector_store %arg7[%swap3A_159, %swap3A_160], %swap3A_163 {strides = array<i32>} : memref<50x128xi32, #tpu.memory_space<vmem>>, vector<1x16xi32>,
    %dma_wait3A = arith.constant 48 : i32
    %dma_wait3A_164 = arith.constant 0 : i32
    %dma_wait3A_165 = tpu.memref_slice %arg6[%dma_wait3A, %dma_wait3A_164] : memref<50x128xi32, #tpu.memory_space<vmem>> -> memref<1x128xi32, #tpu.memory_space<vmem>>
    %dma_wait3A_166 = tpu.memref_squeeze %dma_wait3A_165 : memref<1x128xi32, #tpu.memory_space<vmem>> -> memref<128xi32, #tpu.memory_space<vmem>>
    %dma_wait3A_167 = arith.constant 0 : i32
    %dma_wait3A_168 = arith.constant 0 : i32
    %dma_wait3A_169 = tpu.memref_slice %arg3[%dma_wait3A_167, %dma_wait3A_168] : memref<100000x128xf32, #tpu.memory_space<hbm>> -> memref<100000x128xf32, #tpu.memory_space<hbm>>
    tpu.wait_indirect_dma semaphore(%arg14 : memref<!tpu.dma_semaphore, #tpu.memory_space<semaphore_mem>>) src(%dma_wait3A_169 : memref<100000x128xf32, #tpu.memory_space<hbm>>) dst(%arg8 : memref<128x128xf32, #tpu.memory_space<vmem>>)
    %dma_start3A_170 = arith.constant 48 : i32
    %dma_start3A_171 = arith.constant 0 : i32
    %dma_start3A_172 = tpu.memref_slice %arg4[%dma_start3A_170, %mul3A_2, %dma_start3A_171] : memref<50x4096x128xf32, #tpu.memory_space<hbm>> -> memref<1x128x128xf32, #tpu.memory_space<hbm>>
    %dma_start3A_173 = tpu.memref_squeeze %dma_start3A_172 : memref<1x128x128xf32, #tpu.memory_space<hbm>> -> memref<128x128xf32, #tpu.memory_space<hbm>>
    %dma_start3A_174 = arith.constant 0 : i32
    %dma_start3A_175 = tpu.memref_slice %arg4[%dma_start3A_170, %mul3A_2, %dma_start3A_174] : memref<50x4096x128xf32, #tpu.memory_space<hbm>> -> memref<1x128x128xf32, #tpu.memory_space<hbm>>
    %dma_start3A_176 = tpu.memref_squeeze %dma_start3A_175 : memref<1x128x128xf32, #tpu.memory_space<hbm>> -> memref<128x128xf32, #tpu.memory_space<hbm>>
    tpu.enqueue_dma source(%arg8 : memref<128x128xf32, #tpu.memory_space<vmem>>) target(%dma_start3A_176 : memref<128x128xf32, #tpu.memory_space<hbm>>) target_semaphore(%arg20 : memref<!tpu.dma_semaphore, #tpu.memory_space<semaphore_mem>>)
    %dma_wait3A_177 = arith.constant 47 : i32
    %dma_wait3A_178 = arith.constant 0 : i32
    %dma_wait3A_179 = tpu.memref_slice %arg4[%dma_wait3A_177, %mul3A_2, %dma_wait3A_178] : memref<50x4096x128xf32, #tpu.memory_space<hbm>> -> memref<1x128x128xf32, #tpu.memory_space<hbm>>
    %dma_wait3A_180 = tpu.memref_squeeze %dma_wait3A_179 : memref<1x128x128xf32, #tpu.memory_space<hbm>> -> memref<128x128xf32, #tpu.memory_space<hbm>>
    %dma_wait3A_181 = arith.constant 0 : i32
    %dma_wait3A_182 = tpu.memref_slice %arg4[%dma_wait3A_177, %mul3A_2, %dma_wait3A_181] : memref<50x4096x128xf32, #tpu.memory_space<hbm>> -> memref<1x128x128xf32, #tpu.memory_space<hbm>>
    %dma_wait3A_183 = tpu.memref_squeeze %dma_wait3A_182 : memref<1x128x128xf32, #tpu.memory_space<hbm>> -> memref<128x128xf32, #tpu.memory_space<hbm>>
    tpu.wait_dma2 semaphore(%arg25 : memref<!tpu.dma_semaphore, #tpu.memory_space<semaphore_mem>>) src(%arg13 : memref<128x128xf32, #tpu.memory_space<vmem>>) dst(%dma_wait3A_183 : memref<128x128xf32, #tpu.memory_space<hbm>>)
    %get3A_184 = arith.constant 49 : i32
    %get3A_185 = arith.index_cast %get3A_184 : i32 to index
    %get3A_186 = arith.constant 0 : index
    %get3A_187 = tpu.vector_load %arg6[%get3A_185, %get3A_186] {strides = array<i32>} : memref<50x128xi32, #tpu.memory_space<vmem>>, vector<1x16xi32>,
    %get3A_188 = vector.shape_cast %get3A_187 : vector<1x16xi32> to vector<16xi32>
    %abs3A_189 = math.absi %get3A_188 : vector<16xi32>
    %broadcast_in_dim3A_190 = arith.constant 1 : i32
    %broadcast_in_dim3A_191 = vector.broadcast %broadcast_in_dim3A_190 : i32 to vector<16xi32>
    %min3A_192 = arith.minsi %abs3A_189, %broadcast_in_dim3A_191 : vector<16xi32>
    %swap3A_193 = arith.constant 49 : i32
    %swap3A_194 = arith.index_cast %swap3A_193 : i32 to index
    %swap3A_195 = arith.constant 0 : index
    %swap3A_196 = tpu.vector_load %arg7[%swap3A_194, %swap3A_195] {strides = array<i32>} : memref<50x128xi32, #tpu.memory_space<vmem>>, vector<1x16xi32>,
    %swap3A_197 = vector.shape_cast %swap3A_196 : vector<1x16xi32> to vector<16xi32>
    %swap3A_198 = vector.shape_cast %min3A_192 : vector<16xi32> to vector<1x16xi32>
    tpu.vector_store %arg7[%swap3A_194, %swap3A_195], %swap3A_198 {strides = array<i32>} : memref<50x128xi32, #tpu.memory_space<vmem>>, vector<1x16xi32>,
    %get3A_199 = arith.constant 49 : i32
    %get3A_200 = arith.index_cast %get3A_199 : i32 to index
    %get3A_201 = arith.constant 16 : index
    %get3A_202 = tpu.vector_load %arg6[%get3A_200, %get3A_201] {strides = array<i32>} : memref<50x128xi32, #tpu.memory_space<vmem>>, vector<1x16xi32>,
    %get3A_203 = vector.shape_cast %get3A_202 : vector<1x16xi32> to vector<16xi32>
    %abs3A_204 = math.absi %get3A_203 : vector<16xi32>
    %broadcast_in_dim3A_205 = arith.constant 1 : i32
    %broadcast_in_dim3A_206 = vector.broadcast %broadcast_in_dim3A_205 : i32 to vector<16xi32>
    %min3A_207 = arith.minsi %abs3A_204, %broadcast_in_dim3A_206 : vector<16xi32>
    %swap3A_208 = arith.constant 49 : i32
    %swap3A_209 = arith.index_cast %swap3A_208 : i32 to index
    %swap3A_210 = arith.constant 16 : index
    %swap3A_211 = tpu.vector_load %arg7[%swap3A_209, %swap3A_210] {strides = array<i32>} : memref<50x128xi32, #tpu.memory_space<vmem>>, vector<1x16xi32>,
    %swap3A_212 = vector.shape_cast %swap3A_211 : vector<1x16xi32> to vector<16xi32>
    %swap3A_213 = vector.shape_cast %min3A_207 : vector<16xi32> to vector<1x16xi32>
    tpu.vector_store %arg7[%swap3A_209, %swap3A_210], %swap3A_213 {strides = array<i32>} : memref<50x128xi32, #tpu.memory_space<vmem>>, vector<1x16xi32>,
    %get3A_214 = arith.constant 49 : i32
    %get3A_215 = arith.index_cast %get3A_214 : i32 to index
    %get3A_216 = arith.constant 32 : index
    %get3A_217 = tpu.vector_load %arg6[%get3A_215, %get3A_216] {strides = array<i32>} : memref<50x128xi32, #tpu.memory_space<vmem>>, vector<1x16xi32>,
    %get3A_218 = vector.shape_cast %get3A_217 : vector<1x16xi32> to vector<16xi32>
    %abs3A_219 = math.absi %get3A_218 : vector<16xi32>
    %broadcast_in_dim3A_220 = arith.constant 1 : i32
    %broadcast_in_dim3A_221 = vector.broadcast %broadcast_in_dim3A_220 : i32 to vector<16xi32>
    %min3A_222 = arith.minsi %abs3A_219, %broadcast_in_dim3A_221 : vector<16xi32>
    %swap3A_223 = arith.constant 49 : i32
    %swap3A_224 = arith.index_cast %swap3A_223 : i32 to index
    %swap3A_225 = arith.constant 32 : index
    %swap3A_226 = tpu.vector_load %arg7[%swap3A_224, %swap3A_225] {strides = array<i32>} : memref<50x128xi32, #tpu.memory_space<vmem>>, vector<1x16xi32>,
    %swap3A_227 = vector.shape_cast %swap3A_226 : vector<1x16xi32> to vector<16xi32>
    %swap3A_228 = vector.shape_cast %min3A_222 : vector<16xi32> to vector<1x16xi32>
    tpu.vector_store %arg7[%swap3A_224, %swap3A_225], %swap3A_228 {strides = array<i32>} : memref<50x128xi32, #tpu.memory_space<vmem>>, vector<1x16xi32>,
    %get3A_229 = arith.constant 49 : i32
    %get3A_230 = arith.index_cast %get3A_229 : i32 to index
    %get3A_231 = arith.constant 48 : index
    %get3A_232 = tpu.vector_load %arg6[%get3A_230, %get3A_231] {strides = array<i32>} : memref<50x128xi32, #tpu.memory_space<vmem>>, vector<1x16xi32>,
    %get3A_233 = vector.shape_cast %get3A_232 : vector<1x16xi32> to vector<16xi32>
    %abs3A_234 = math.absi %get3A_233 : vector<16xi32>
    %broadcast_in_dim3A_235 = arith.constant 1 : i32
    %broadcast_in_dim3A_236 = vector.broadcast %broadcast_in_dim3A_235 : i32 to vector<16xi32>
    %min3A_237 = arith.minsi %abs3A_234, %broadcast_in_dim3A_236 : vector<16xi32>
    %swap3A_238 = arith.constant 49 : i32
    %swap3A_239 = arith.index_cast %swap3A_238 : i32 to index
    %swap3A_240 = arith.constant 48 : index
    %swap3A_241 = tpu.vector_load %arg7[%swap3A_239, %swap3A_240] {strides = array<i32>} : memref<50x128xi32, #tpu.memory_space<vmem>>, vector<1x16xi32>,
    %swap3A_242 = vector.shape_cast %swap3A_241 : vector<1x16xi32> to vector<16xi32>
    %swap3A_243 = vector.shape_cast %min3A_237 : vector<16xi32> to vector<1x16xi32>
    tpu.vector_store %arg7[%swap3A_239, %swap3A_240], %swap3A_243 {strides = array<i32>} : memref<50x128xi32, #tpu.memory_space<vmem>>, vector<1x16xi32>,
    %get3A_244 = arith.constant 49 : i32
    %get3A_245 = arith.index_cast %get3A_244 : i32 to index
    %get3A_246 = arith.constant 64 : index
    %get3A_247 = tpu.vector_load %arg6[%get3A_245, %get3A_246] {strides = array<i32>} : memref<50x128xi32, #tpu.memory_space<vmem>>, vector<1x16xi32>,
    %get3A_248 = vector.shape_cast %get3A_247 : vector<1x16xi32> to vector<16xi32>
    %abs3A_249 = math.absi %get3A_248 : vector<16xi32>
    %broadcast_in_dim3A_250 = arith.constant 1 : i32
    %broadcast_in_dim3A_251 = vector.broadcast %broadcast_in_dim3A_250 : i32 to vector<16xi32>
    %min3A_252 = arith.minsi %abs3A_249, %broadcast_in_dim3A_251 : vector<16xi32>
    %swap3A_253 = arith.constant 49 : i32
    %swap3A_254 = arith.index_cast %swap3A_253 : i32 to index
    %swap3A_255 = arith.constant 64 : index
    %swap3A_256 = tpu.vector_load %arg7[%swap3A_254, %swap3A_255] {strides = array<i32>} : memref<50x128xi32, #tpu.memory_space<vmem>>, vector<1x16xi32>,
    %swap3A_257 = vector.shape_cast %swap3A_256 : vector<1x16xi32> to vector<16xi32>
    %swap3A_258 = vector.shape_cast %min3A_252 : vector<16xi32> to vector<1x16xi32>
    tpu.vector_store %arg7[%swap3A_254, %swap3A_255], %swap3A_258 {strides = array<i32>} : memref<50x128xi32, #tpu.memory_space<vmem>>, vector<1x16xi32>,
    %get3A_259 = arith.constant 49 : i32
    %get3A_260 = arith.index_cast %get3A_259 : i32 to index
    %get3A_261 = arith.constant 80 : index
    %get3A_262 = tpu.vector_load %arg6[%get3A_260, %get3A_261] {strides = array<i32>} : memref<50x128xi32, #tpu.memory_space<vmem>>, vector<1x16xi32>,
    %get3A_263 = vector.shape_cast %get3A_262 : vector<1x16xi32> to vector<16xi32>
    %abs3A_264 = math.absi %get3A_263 : vector<16xi32>
    %broadcast_in_dim3A_265 = arith.constant 1 : i32
    %broadcast_in_dim3A_266 = vector.broadcast %broadcast_in_dim3A_265 : i32 to vector<16xi32>
    %min3A_267 = arith.minsi %abs3A_264, %broadcast_in_dim3A_266 : vector<16xi32>
    %swap3A_268 = arith.constant 49 : i32
    %swap3A_269 = arith.index_cast %swap3A_268 : i32 to index
    %swap3A_270 = arith.constant 80 : index
    %swap3A_271 = tpu.vector_load %arg7[%swap3A_269, %swap3A_270] {strides = array<i32>} : memref<50x128xi32, #tpu.memory_space<vmem>>, vector<1x16xi32>,
    %swap3A_272 = vector.shape_cast %swap3A_271 : vector<1x16xi32> to vector<16xi32>
    %swap3A_273 = vector.shape_cast %min3A_267 : vector<16xi32> to vector<1x16xi32>
    tpu.vector_store %arg7[%swap3A_269, %swap3A_270], %swap3A_273 {strides = array<i32>} : memref<50x128xi32, #tpu.memory_space<vmem>>, vector<1x16xi32>,
    %get3A_274 = arith.constant 49 : i32
    %get3A_275 = arith.index_cast %get3A_274 : i32 to index
    %get3A_276 = arith.constant 96 : index
    %get3A_277 = tpu.vector_load %arg6[%get3A_275, %get3A_276] {strides = array<i32>} : memref<50x128xi32, #tpu.memory_space<vmem>>, vector<1x16xi32>,
    %get3A_278 = vector.shape_cast %get3A_277 : vector<1x16xi32> to vector<16xi32>
    %abs3A_279 = math.absi %get3A_278 : vector<16xi32>
    %broadcast_in_dim3A_280 = arith.constant 1 : i32
    %broadcast_in_dim3A_281 = vector.broadcast %broadcast_in_dim3A_280 : i32 to vector<16xi32>
    %min3A_282 = arith.minsi %abs3A_279, %broadcast_in_dim3A_281 : vector<16xi32>
    %swap3A_283 = arith.constant 49 : i32
    %swap3A_284 = arith.index_cast %swap3A_283 : i32 to index
    %swap3A_285 = arith.constant 96 : index
    %swap3A_286 = tpu.vector_load %arg7[%swap3A_284, %swap3A_285] {strides = array<i32>} : memref<50x128xi32, #tpu.memory_space<vmem>>, vector<1x16xi32>,
    %swap3A_287 = vector.shape_cast %swap3A_286 : vector<1x16xi32> to vector<16xi32>
    %swap3A_288 = vector.shape_cast %min3A_282 : vector<16xi32> to vector<1x16xi32>
    tpu.vector_store %arg7[%swap3A_284, %swap3A_285], %swap3A_288 {strides = array<i32>} : memref<50x128xi32, #tpu.memory_space<vmem>>, vector<1x16xi32>,
    %get3A_289 = arith.constant 49 : i32
    %get3A_290 = arith.index_cast %get3A_289 : i32 to index
    %get3A_291 = arith.constant 112 : index
    %get3A_292 = tpu.vector_load %arg6[%get3A_290, %get3A_291] {strides = array<i32>} : memref<50x128xi32, #tpu.memory_space<vmem>>, vector<1x16xi32>,
    %get3A_293 = vector.shape_cast %get3A_292 : vector<1x16xi32> to vector<16xi32>
    %abs3A_294 = math.absi %get3A_293 : vector<16xi32>
    %broadcast_in_dim3A_295 = arith.constant 1 : i32
    %broadcast_in_dim3A_296 = vector.broadcast %broadcast_in_dim3A_295 : i32 to vector<16xi32>
    %min3A_297 = arith.minsi %abs3A_294, %broadcast_in_dim3A_296 : vector<16xi32>
    %swap3A_298 = arith.constant 49 : i32
    %swap3A_299 = arith.index_cast %swap3A_298 : i32 to index
    %swap3A_300 = arith.constant 112 : index
    %swap3A_301 = tpu.vector_load %arg7[%swap3A_299, %swap3A_300] {strides = array<i32>} : memref<50x128xi32, #tpu.memory_space<vmem>>, vector<1x16xi32>,
    %swap3A_302 = vector.shape_cast %swap3A_301 : vector<1x16xi32> to vector<16xi32>
    %swap3A_303 = vector.shape_cast %min3A_297 : vector<16xi32> to vector<1x16xi32>
    tpu.vector_store %arg7[%swap3A_299, %swap3A_300], %swap3A_303 {strides = array<i32>} : memref<50x128xi32, #tpu.memory_space<vmem>>, vector<1x16xi32>,
    %dma_wait3A_304 = arith.constant 49 : i32
    %dma_wait3A_305 = arith.constant 0 : i32
    %dma_wait3A_306 = tpu.memref_slice %arg6[%dma_wait3A_304, %dma_wait3A_305] : memref<50x128xi32, #tpu.memory_space<vmem>> -> memref<1x128xi32, #tpu.memory_space<vmem>>
    %dma_wait3A_307 = tpu.memref_squeeze %dma_wait3A_306 : memref<1x128xi32, #tpu.memory_space<vmem>> -> memref<128xi32, #tpu.memory_space<vmem>>
    %dma_wait3A_308 = arith.constant 0 : i32
    %dma_wait3A_309 = arith.constant 0 : i32
    %dma_wait3A_310 = tpu.memref_slice %arg3[%dma_wait3A_308, %dma_wait3A_309] : memref<100000x128xf32, #tpu.memory_space<hbm>> -> memref<100000x128xf32, #tpu.memory_space<hbm>>
    tpu.wait_indirect_dma semaphore(%arg15 : memref<!tpu.dma_semaphore, #tpu.memory_space<semaphore_mem>>) src(%dma_wait3A_310 : memref<100000x128xf32, #tpu.memory_space<hbm>>) dst(%arg9 : memref<128x128xf32, #tpu.memory_space<vmem>>)
    %dma_start3A_311 = arith.constant 49 : i32
    %dma_start3A_312 = arith.constant 0 : i32
    %dma_start3A_313 = tpu.memref_slice %arg4[%dma_start3A_311, %mul3A_2, %dma_start3A_312] : memref<50x4096x128xf32, #tpu.memory_space<hbm>> -> memref<1x128x128xf32, #tpu.memory_space<hbm>>
    %dma_start3A_314 = tpu.memref_squeeze %dma_start3A_313 : memref<1x128x128xf32, #tpu.memory_space<hbm>> -> memref<128x128xf32, #tpu.memory_space<hbm>>
    %dma_start3A_315 = arith.constant 0 : i32
    %dma_start3A_316 = tpu.memref_slice %arg4[%dma_start3A_311, %mul3A_2, %dma_start3A_315] : memref<50x4096x128xf32, #tpu.memory_space<hbm>> -> memref<1x128x128xf32, #tpu.memory_space<hbm>>
    %dma_start3A_317 = tpu.memref_squeeze %dma_start3A_316 : memref<1x128x128xf32, #tpu.memory_space<hbm>> -> memref<128x128xf32, #tpu.memory_space<hbm>>
    tpu.enqueue_dma source(%arg9 : memref<128x128xf32, #tpu.memory_space<vmem>>) target(%dma_start3A_317 : memref<128x128xf32, #tpu.memory_space<hbm>>) target_semaphore(%arg21 : memref<!tpu.dma_semaphore, #tpu.memory_space<semaphore_mem>>)
    %dma_wait3A_318 = arith.constant 48 : i32
    %dma_wait3A_319 = arith.constant 0 : i32
    %dma_wait3A_320 = tpu.memref_slice %arg4[%dma_wait3A_318, %mul3A_2, %dma_wait3A_319] : memref<50x4096x128xf32, #tpu.memory_space<hbm>> -> memref<1x128x128xf32, #tpu.memory_space<hbm>>
    %dma_wait3A_321 = tpu.memref_squeeze %dma_wait3A_320 : memref<1x128x128xf32, #tpu.memory_space<hbm>> -> memref<128x128xf32, #tpu.memory_space<hbm>>
    %dma_wait3A_322 = arith.constant 0 : i32
    %dma_wait3A_323 = tpu.memref_slice %arg4[%dma_wait3A_318, %mul3A_2, %dma_wait3A_322] : memref<50x4096x128xf32, #tpu.memory_space<hbm>> -> memref<1x128x128xf32, #tpu.memory_space<hbm>>
    %dma_wait3A_324 = tpu.memref_squeeze %dma_wait3A_323 : memref<1x128x128xf32, #tpu.memory_space<hbm>> -> memref<128x128xf32, #tpu.memory_space<hbm>>
    tpu.wait_dma2 semaphore(%arg20 : memref<!tpu.dma_semaphore, #tpu.memory_space<semaphore_mem>>) src(%arg8 : memref<128x128xf32, #tpu.memory_space<vmem>>) dst(%dma_wait3A_324 : memref<128x128xf32, #tpu.memory_space<hbm>>)
    "tpu.region"() ({
      %run_scoped3A = tpu.sem_alloc : memref<!tpu.dma_semaphore, #tpu.memory_space<semaphore_mem>>
      %dma_start3A_332 = arith.constant 0 : i32
      %dma_start3A_333 = tpu.memref_slice %arg5[%dma_start3A_332, %mul3A_2] : memref<50x4096xi32, #tpu.memory_space<hbm>> -> memref<50x128xi32, #tpu.memory_space<hbm>>
      %dma_start3A_334 = arith.constant 0 : i32
      %dma_start3A_335 = tpu.memref_slice %arg5[%dma_start3A_334, %mul3A_2] : memref<50x4096xi32, #tpu.memory_space<hbm>> -> memref<50x128xi32, #tpu.memory_space<hbm>>
      tpu.enqueue_dma source(%arg7 : memref<50x128xi32, #tpu.memory_space<vmem>>) target(%dma_start3A_335 : memref<50x128xi32, #tpu.memory_space<hbm>>) target_semaphore(%run_scoped3A : memref<!tpu.dma_semaphore, #tpu.memory_space<semaphore_mem>>)
      %dma_wait3A_336 = arith.constant 0 : i32
      %dma_wait3A_337 = tpu.memref_slice %arg5[%dma_wait3A_336, %mul3A_2] : memref<50x4096xi32, #tpu.memory_space<hbm>> -> memref<50x128xi32, #tpu.memory_space<hbm>>
      %dma_wait3A_338 = arith.constant 0 : i32
      %dma_wait3A_339 = tpu.memref_slice %arg5[%dma_wait3A_338, %mul3A_2] : memref<50x4096xi32, #tpu.memory_space<hbm>> -> memref<50x128xi32, #tpu.memory_space<hbm>>
      tpu.wait_dma2 semaphore(%run_scoped3A : memref<!tpu.dma_semaphore, #tpu.memory_space<semaphore_mem>>) src(%arg7 : memref<50x128xi32, #tpu.memory_space<vmem>>) dst(%dma_wait3A_339 : memref<50x128xi32, #tpu.memory_space<hbm>>)
      tpu.yield
    }) : () -> ()
    %dma_wait3A_325 = arith.constant 49 : i32
    %dma_wait3A_326 = arith.constant 0 : i32
    %dma_wait3A_327 = tpu.memref_slice %arg4[%dma_wait3A_325, %mul3A_2, %dma_wait3A_326] : memref<50x4096x128xf32, #tpu.memory_space<hbm>> -> memref<1x128x128xf32, #tpu.memory_space<hbm>>
    %dma_wait3A_328 = tpu.memref_squeeze %dma_wait3A_327 : memref<1x128x128xf32, #tpu.memory_space<hbm>> -> memref<128x128xf32, #tpu.memory_space<hbm>>
    %dma_wait3A_329 = arith.constant 0 : i32
    %dma_wait3A_330 = tpu.memref_slice %arg4[%dma_wait3A_325, %mul3A_2, %dma_wait3A_329] : memref<50x4096x128xf32, #tpu.memory_space<hbm>> -> memref<1x128x128xf32, #tpu.memory_space<hbm>>
    %dma_wait3A_331 = tpu.memref_squeeze %dma_wait3A_330 : memref<1x128x128xf32, #tpu.memory_space<hbm>> -> memref<128x128xf32, #tpu.memory_space<hbm>>
    tpu.wait_dma2 semaphore(%arg21 : memref<!tpu.dma_semaphore, #tpu.memory_space<semaphore_mem>>) src(%arg9 : memref<128x128xf32, #tpu.memory_space<vmem>>) dst(%dma_wait3A_331 : memref<128x128xf32, #tpu.memory_space<hbm>>)
    return
  }
}

</mosaic_0001>

<sc_bundles>
// kernel: kernel.3.cloned.1.call-start
scs
__scs_entry_jumppad:
0x0: {  	(pc) =	sbr.rel $0x88, $3  }
0x1: {  	(tag) =	ssettag $0x0;
	lr =	simm.s32 $0x1  }
0x2: {  	[smem:$0x3F9F] =	sst lr;
	_ =	strace $0xD0000000  }
0x3: {  	_ = 	snop  }
0x4: {  	_ = 	snop  }
0x5: {  	_ = 	snop  }
0x6: {  	_ = 	snop  }
0x7: {  	_ = 	snop  }
__scs_overlays_trampoline_lowered:
0x8: {  	[smem:$0x3FAE] =	sst s0  }
0x9: {  	[smem:$0x3FAF] =	sst s1  }
0xa: {  	[smem:$0x3FB0] =	sst s2  }
0xb: {  	[smem:$0x3FB1] =	sst s3  }
0xc: {  	[smem:$0x3FB2] =	sst s4  }
0xd: {  	[smem:$0x3FB3] =	sst s5  }
0xe: {  	[smem:$0x3FB4] =	sst s6  }
0xf: {  	[smem:$0x3FB5] =	sst s7  }
0x10: {  	[smem:$0x3FB6] =	sst s8  }
0x11: {  	[smem:$0x3FB7] =	sst s9;
	s0 =	simm.s32 @!p0 $0x0  }
0x12: {  	s1 =	sld [smem:$0x3F9D];
	s0 =	simm.s32 @p0 $0x1  }
0x13: {  	[smem:$0x3FB8] =	sst s0;
	s0 =	simm.s32 @!p1 $0x0  }
0x14: {  	s2 =	sld [smem:$0x3F9C];
	s0 =	simm.s32 @p1 $0x1  }
0x15: {  	[smem:$0x3FB9] =	sst s0;
	s0 =	simm.s32 @!p2 $0x0  }
0x16: {  	s3 =	sld [smem:$0x3FDB];
	s0 =	simm.s32 @p2 $0x1  }
0x17: {  	s4 =	simm.s32 $0x1BF5;
	[smem:$0x3FBB] =	sst s0  }
0x18: {  	s0 =	sld [smem:$0x3F9E];
	_ =	swait.ge [sflag:s4], $0x0  }
0x19: {  	s7 =	sld [smem:$0x3F9F]  }
0x1a: {  	s8 =	sadd.s32 $0xFFFFE003, lr  }
0x1b: {  	s9 =	sadd.s32 $0xFFFFFEF7, lr;
	s5 =	simm.s32 $0xFFFFFFFF;
	p2 =	slt.u32 s8, $0xFFFFF086  }
0x1c: {  	p1 =	slt.u32 s9, $0xF7A;
	s5 =	simm.s32 @!p2 $0x0  }
0x1d: {  	s5 =	simm.s32 @p1 $0x1;
	p0 =	seq.s32 s7, s2  }
0x1e: {  	s7 =	smul.u32 @!p0 $0xF7A, s2;
	p2 =	seq.s32 @!p0 s5, $0x0  }
0x1f: {  	s9 =	smul.u32 $0xF7A, s1;
	s8 =	simm.s32 @!p0 $0x1BF5;
	p2 =	por !p2, p0  }
0x20: {  	[sflag:s8] =	ssyncset.s32 @!p0 $0xFFFFF086;
	s6 =	sadd.s32 @!p0 s3, s7;
	s7 =	simm.s32 @!p0 $0x108  }
0x21: {  	s3 =	sadd.s32 s3, s9;
	s6 =	sadd.s32 @!p0 $0x88, s6;
	s7 =	simm.s32 @p2 $0x1082  }
0x22: {  	[simem:s7], [sflag:s8] =	dma.local @!p0 [hbm:s6], $0xF7A  }
0x23: {  	s9 =	sor.u32 $0xD0000000, s2;
	s6 =	simm.s32 $0x108;
	_ =	swait.ge @!p0 [sflag:s8], $0x0  }
0x24: {  	s3 =	sadd.s32 $0x88, s3;
	s6 =	simm.s32 @!p1 $0x1082;
	[sflag:s4] =	ssyncset.s32 $0xFFFFF086  }
0x25: {  	[simem:s6], [sflag:s4] =	dma.local [hbm:s3], $0xF7A  }
0x26: {  	[smem:$0x3F9F] =	sst s1;
	(tag) =	ssettag s2;
	_ =	strace s9  }
0x27: {  	s1 =	sld [smem:$0x3FAF]  }
0x28: {  	s2 =	sld [smem:$0x3FB0]  }
0x29: {  	s4 =	sld [smem:$0x3FB2]  }
0x2a: {  	p0 =	seq.s32 s5, $0x0;
	s5 =	sld [smem:$0x3FB3]  }
0x2b: {  	s6 =	sld [smem:$0x3FB4]  }
0x2c: {  	s7 =	sld [smem:$0x3FB5]  }
0x2d: {  	s3 =	simm.s32 $0x108;
	s8 =	sld [smem:$0x3FB6]  }
0x2e: {  	s3 =	simm.s32 @!p0 $0x1082;
	s9 =	sld [smem:$0x3FB7]  }
0x2f: {  	lr =	sadd.s32 s0, s3;
	s0 =	sld [smem:$0x3FAE]  }
0x30: {  	s3 =	sld [smem:$0x3FB1]  }
0x31: {  	[smem:$0x3FBA] =	sst s10  }
0x32: {  	s10 =	sld [smem:$0x3FB8];
	_ =	sdelay $0x3  }
0x33: {  	p0 =	seq.s32 s10, $0x1;
	s10 =	sld [smem:$0x3FBA];
	_ =	sdelay $0x3  }
0x34: {  	[smem:$0x3FBA] =	sst s10  }
0x35: {  	s10 =	sld [smem:$0x3FB9];
	_ =	sdelay $0x3  }
0x36: {  	p1 =	seq.s32 s10, $0x1;
	s10 =	sld [smem:$0x3FBA];
	_ =	sdelay $0x3  }
0x37: {  	[smem:$0x3FBA] =	sst s10  }
0x38: {  	s10 =	sld [smem:$0x3FBB]  }
0x39: {  	_ = 	snop;
	(pc) =	sbr.ind lr, $3  }
0x3a: {  	_ = 	snop  }
0x3b: {  	_ = 	snop  }
0x3c: {  	p2 =	seq.s32 s10, $0x1;
	s10 =	sld [smem:$0x3FBA]  }
0x3d: {  	_ =	shalt  }
0x3e: {  	_ =	shalt  }
0x3f: {  	_ =	shalt  }
0x40: {  	_ =	shalt  }
0x41: {  	_ =	shalt  }
0x42: {  	_ =	shalt  }
0x43: {  	_ =	shalt  }
0x44: {  	_ =	shalt  }
0x45: {  	_ =	shalt  }
0x46: {  	_ =	shalt  }
0x47: {  	_ =	shalt  }
0x48: {  	_ =	shalt  }
0x49: {  	_ =	shalt  }
0x4a: {  	_ =	shalt  }
0x4b: {  	_ =	shalt  }
0x4c: {  	_ =	shalt  }
0x4d: {  	_ =	shalt  }
0x4e: {  	_ =	shalt  }
0x4f: {  	_ =	shalt  }
0x50: {  	_ =	shalt  }
0x51: {  	_ =	shalt  }
0x52: {  	_ =	shalt  }
0x53: {  	_ =	shalt  }
0x54: {  	_ =	shalt  }
0x55: {  	_ =	shalt  }
0x56: {  	_ =	shalt  }
0x57: {  	_ =	shalt  }
0x58: {  	_ =	shalt  }
0x59: {  	_ =	shalt  }
0x5a: {  	_ =	shalt  }
0x5b: {  	_ =	shalt  }
0x5c: {  	_ =	shalt  }
0x5d: {  	_ =	shalt  }
0x5e: {  	_ =	shalt  }
0x5f: {  	_ =	shalt  }
0x60: {  	_ =	shalt  }
0x61: {  	_ =	shalt  }
0x62: {  	_ =	shalt  }
0x63: {  	_ =	shalt  }
0x64: {  	_ =	shalt  }
0x65: {  	_ =	shalt  }
0x66: {  	_ =	shalt  }
0x67: {  	_ =	shalt  }
0x68: {  	_ =	shalt  }
0x69: {  	_ =	shalt  }
0x6a: {  	_ =	shalt  }
0x6b: {  	_ =	shalt  }
0x6c: {  	_ =	shalt  }
0x6d: {  	_ =	shalt  }
0x6e: {  	_ =	shalt  }
0x6f: {  	_ =	shalt  }
0x70: {  	_ =	shalt  }
0x71: {  	_ =	shalt  }
0x72: {  	_ =	shalt  }
0x73: {  	_ =	shalt  }
0x74: {  	_ =	shalt  }
0x75: {  	_ =	shalt  }
0x76: {  	_ =	shalt  }
0x77: {  	_ =	shalt  }
0x78: {  	_ =	shalt  }
0x79: {  	_ =	shalt  }
0x7a: {  	_ =	shalt  }
0x7b: {  	_ =	shalt  }
0x7c: {  	_ =	shalt  }
0x7d: {  	_ =	shalt  }
0x7e: {  	_ =	shalt  }
0x7f: {  	_ =	shalt  }
0x80: {  	_ =	shalt  }
0x81: {  	_ =	shalt  }
0x82: {  	_ =	shalt  }
0x83: {  	_ =	shalt  }
0x84: {  	_ =	shalt  }
0x85: {  	_ =	shalt  }
0x86: {  	_ =	shalt  }
0x87: {  	_ =	shalt  }
.Lfunc_end0:
.L_simem_size_0:
called_computation_lowered:
.L_overlay_start_0:
0x88: {  	s2 =	sld [smem:$0x3FD9]  }
0x89: {  	s3 =	sld [smem:$0x3FFE];
	_ =	sdelay $0x1  }
0x8a: {  	s1 =	srdreg.scid  }
0x8b: {  	s0 =	sand.u32 $0x1, s1  }
0x8c: {  	s14 =	sshll.u32 s0, $0xA;
	s2 =	sadd.s32 s3, s2  }
0x8d: {  	s2 =	sadd.s32 s2, s14  }
0x8e: {  	[smem:$0x3FC6] =	sst s2  }
0x8f: {  	_ = 	snop  }
0x90: {  	s2 =	sld [smem:$0x3FD0];
	_ =	sdelay $0x1  }
0x91: {  	s15 =	sld [smem:$0x3FC9]  }
0x92: {  	s5 =	simm.s32 $0xA;
	s6 =	simm.s32 $0x10;
	s4 =	sld [smem:$0x3FC8]  }
0x93: {  	[smem:s6], [sflag:s5] =	dma.local [hbm:s2], $0x1  }
0x94: {  	_ =	swait.eq [sflag:s5], $0x1  }
0x95: {  	[sflag:s5] =	ssyncset.done $0x0  }
0x96: {  	[sflag:s5] =	ssyncadd.s32 $0xFFFFFFFF  }
0x97: {  	s16 =	sld [smem:$0x10];
	(tm) =	ssettm $0x1  }
0x98: {  	s17 =	sld [smem:$0x3FFB];
	_ =	sdelay $0x3  }
0x99: {  	_ =	strace s17  }
0x9a: {  	s5 =	sld [smem:$0x3FFC];
	_ =	sdelay $0x3  }
0x9b: {  	_ =	strace s5  }
0x9c: {  	s5 =	sld [smem:$0x3FFD];
	_ =	sdelay $0x3  }
0x9d: {  	_ =	strace s5  }
0x9e: {  	_ =	strace $0x8FFFFFFF  }
0x9f: {  	s18 =	sld [smem:$0x3FDB];
	_ =	sdelay $0x1  }
0xa0: {  	s19 =	simm.s32 $_scs_section_size  }
0xa1: {  	s7 =	simm.s32 $_size__tile_overlayer_lowered;
	s8 =	simm.s32 $_tile_overlayer_lowered  }
0xa2: {  	s22 =	simm.s32 $0x1BFF;
	s21 =	sshll.u32 s8, $0x1;
	s5 =	sadd.s32 s19, s18  }
0xa3: {  	s9 =	simm.s32 $0x0;
	s20 =	sshll.u32 s7, $0x1;
	s7 =	sadd.s32 s21, s5  }
0xa4: {  	[timem:s9], [sflag:s22] =	dma.local [hbm:s7], s20  }
0xa5: {  	_ =	swait.ge [sflag:s22], s20  }
0xa6: {  	s6 =	ssub.s32 $0x0, s20;
	[sflag:s22] =	ssyncset.done $0x0  }
0xa7: {  	[sflag:s22] =	ssyncadd.s32 s6;
	_ =	sdelay $0x1  }
0xa8: {  	s23 =	simm.s32 $0x1B8B  }
0xa9: {  	_ =	swait.ge [sflag:s23], $0x1  }
0xaa: {  	[sflag:s23] =	ssyncset.done $0x0  }
0xab: {  	s25 =	simm.s32 $0x1B8E;
	s24 =	sld [smem:$0x3FFE];
	[sflag:s23] =	ssyncadd.s32 $0xFFFFFFFF  }
0xac: {  	s26 =	simm.s32 $execute0_lowered;
	[smem:$0x3FD2] =	sst s25  }
0xad: {  	s7 =	sshll.u32 s26, $0x1;
	_ =	strace $0x80000046;
	[dreg:$0x1] =	wrdreg $0xFFFFFFFF  }
0xae: {  	s28 =	simm.s32 $_size_execute0_lowered;
	s5 =	sadd.s32 s5, s7;
	[dreg:$0x0] =	wrdreg $0x0  }
0xaf: {  	s7 =	sshll.u32 s28, $0x1;
	[dreg:$0x2] =	wrdreg s5  }
0xb0: {  	[dreg:$0x3] =	wrdreg s7  }
0xb1: {  	[dreg:$0x4] =	wrdreg $0xC0  }
0xb2: {  	_ =	task [dreg:s9], $0x5FFFF  }
0xb3: {  	[dreg:$0x1] =	wrdreg $0xFFFFFFFF  }
0xb4: {  	[dreg:$0x0] =	wrdreg $0x60  }
0xb5: {  	[dreg:$0x2] =	wrdreg s15  }
0xb6: {  	[dreg:$0x3] =	wrdreg s4  }
0xb7: {  	[dreg:$0x4] =	wrdreg s16  }
0xb8: {  	[dreg:$0x5] =	wrdreg s24  }
0xb9: {  	[dreg:$0x6] =	wrdreg $0x9  }
0xba: {  	_ =	task.clear_ibuf [dreg:s9], $0x7FFFF;
	_ =	strace $0x90000046  }
0xbb: {  	s29 =	simm.s32 $0x9;
	_ =	strace $0x80000048  }
0xbc: {  	_ =	swait.ge [sflag:s29], $0x1  }
0xbd: {  	[sflag:s29] =	ssyncadd.s32 $0xFFFFFFFF  }
0xbe: {  	_ =	strace $0x90000048  }
0xbf: {  	_ =	sfence  }
0xc0: {  	s30 =	sld [smem:$0x0];
	_ =	sdelay $0x2  }
0xc1: {  	s31 =	sshll.u32 s1, $0xD;
	s1 =	sshrl.u32 s1, $0x2  }
0xc2: {  	s3 =	sand.u32 $0x4000, s31;
	s1 =	sadd.s32 s1, s30  }
0xc3: {  	s0 =	sor.u32 s3, s0;
	s1 =	sshll.u32 s1, $0x11  }
0xc4: {  	s0 =	sor.u32 s1, s0  }
0xc5: {  	s0 =	sadd.s32 $0x8F2B, s0  }
0xc6: {  	[sflag:s0] =	ssyncadd.remote.s32 $0x1  }
0xc7: {  	_ =	sfence.sel $0xFFFF  }
0xc8: {  	[dreg:$0x0] =	wrdreg $0xFFFFFFFF;
	(pc) =	sbr.abs _section_cstart, $3  }
0xc9: {  	[dreg:$0x1] =	wrdreg $0xFFFFFFFF  }
0xca: {  	_ =	task.clear_ibuf [dreg:s9], $0x2FFFF;
	_ =	strace $0x9FFFFFFF  }
0xcb: {  	(tm) =	ssettm $0x7FFFFFFF  }
tec
execute0_lowered:
.L_overlay_start_1:
0x0: {  	(tag) =	ssettag $0x1  }
0x1: {  	s0 =	rddreg [dreg:$0x0]  }
0x2: {  	s1 =	rddreg [dreg:$0x1]  }
0x3: {  	s2 =	rddreg [dreg:$0x2]  }
0x4: {  	s4 =	rddreg [dreg:$0x3];
	s5 =	srdreg.scid;
	s3 =	simm.s32 $0x0  }
0x5: {  	s10 =	stileid.u32;
	s29 =	simm.s32 $0x13800;
	s31 =	simm.s32 $0x17800  }
0x6: {  	s28 =	simm.s32 $0x4;
	s30 =	simm.s32 $0x5;
	s5 =	sand.u32 $0x1, s5  }
0x7: {  	[smem:$0x7FF] =	sst s3;
	s6 =	sshll.u32 s10, $0x8;
	s17 =	sshll.u32 s10, $0xF  }
0x8: {  	s10 =	simm.s32 $0xD;
	s7 =	sshll.u32 s5, $0x7;
	_ =	strace $0x80000047  }
0x9: {  	s12 =	ssub.s32 $0x2, s5;
	s5 =	sshll.u32 s5, $0xE;
	s6 =	sor.u32 s7, s6  }
0xa: {  	s9 =	sshrl.u32 s12, $0x1;
	s7 =	simm.s32 $0xB;
	s4 =	sadd.s32 s6, s4  }
0xb: {  	s8 =	sshll.u32 s6, $0x4;
	s11 =	sadd.s32 s0, s6;
	s14 =	ssub.s32 s12, s9  }
0xc: {  	s6 =	simm.s32 $0x400;
	[dreg:$0x5] =	wrdreg s11;
	s15 =	sadd.s32 $0x6000, s11  }
0xd: {  	s9 =	simm.s32 $0x0;
	s4 =	sadd.s32 $0x800, s4;
	[dreg:$0x6] =	wrdreg s15  }
0xe: {  	s13 =	sadd.s32 s8, s2;
	s18 =	smax.u32 s14, $0x1;
	[dreg:$0x9] =	wrdreg s4  }
0xf: {  	s8 =	simm.s32 $0x8000;
	s0 =	sadd.s32 $0x310000, s13;
	[dreg:$0xa] =	wrdreg s18  }
0x10: {  	s16 =	sadd.s32 $0x300000, s13;
	[dreg:$0x8] =	wrdreg s0;
	s0 =	sor.u32 s5, s17  }
0x11: {  	s18 =	simm.s32 $0x7;
	[dreg:$0x7] =	wrdreg s16;
	s19 =	sshrl.u32 s0, $0x3  }
0x12: {  	s5 =	sor.u32 $0x280000, s0;
	s20 =	sor.u32 $0x100000, s0;
	s24 =	sor.u32 $0x180000, s0  }
0x13: {  	s25 =	sor.u32 $0x200000, s0;
	s0 =	sor.u32 $0x80000, s0;
	s4 =	sadd.s32 s19, s2  }
0x14: {  	s21 =	sshrl.u32 s5, $0x3;
	s22 =	sshrl.u32 s20, $0x3;
	s26 =	sshrl.u32 s25, $0x3  }
0x15: {  	s0 =	sshrl.u32 s0, $0x3;
	s20 =	simm.s32 $0x80;
	s25 =	simm.s32 $0x8  }
0x16: {  	s5 =	simm.s32 $0x6;
	[dreg:$0xb] =	wrdreg s4;
	s4 =	sadd.s32 s21, s2  }
0x17: {  	s23 =	sadd.s32 s22, s2;
	s0 =	sadd.s32 s0, s2;
	[dreg:$0xc] =	wrdreg s4  }
.Ltmp0:
0x18: {  	s21 =	simm.s32 $0x3800;
	[dreg:$0xd] =	wrdreg s23;
	(pc) =	sbr.rel .LBB2_1-.Ltmp0, $4  }
0x19: {  	s22 =	simm.s32 $0x7800;
	s4 =	sshrl.u32 s24, $0x3;
	[dreg:$0x10] =	wrdreg s0  }
0x1a: {  	s24 =	simm.s32 $0xB800;
	s0 =	simm.s32 $0x1;
	s4 =	sadd.s32 s4, s2  }
0x1b: {  	s23 =	simm.s32 $0x3;
	[dreg:$0xe] =	wrdreg s4;
	s4 =	sadd.s32 s26, s2  }
0x1c: {  	s26 =	simm.s32 $0xF800;
	s2 =	simm.s32 $0x2;
	[dreg:$0xf] =	wrdreg s4  }
.LBB2_4:
0x1d: {  	v0 =	vld [tilespmem:$0x1800]  }
0x1e: {  	v1 =	vld [tilespmem:$0x1810]  }
0x1f: {  	v2 =	vld [tilespmem:$0x1820]  }
0x20: {  	v3 =	vld [tilespmem:$0x1830]  }
0x21: {  	v5 =	vld [tilespmem:$0x1840]  }
0x22: {  	v27 =	vld [tilespmem:$0x1850]  }
0x23: {  	v7 =	vld [tilespmem:$0x1860]  }
0x24: {  	v8 =	vld [tilespmem:$0x1870];
	_ =	sdelay $0x1  }
0x25: {  	v4 =	vsub.s32 $0x0, v0;
	v26 =	vsub.s32 $0x0, v1  }
0x26: {  	v6 =	vsub.s32 $0x0, v2;
	v28 =	vsub.s32 $0x0, v3;
	v29 =	vsub.s32 $0x0, v5  }
0x27: {  	v33 =	vsub.s32 $0x0, v27;
	v36 =	vsub.s32 $0x0, v7;
	v0 =	vmin.u32 v0, v4  }
0x28: {  	v38 =	vsub.s32 $0x0, v8;
	v1 =	vmin.u32 v1, v26;
	vm0 =	vlt.s32 v0, $0x1  }
0x29: {  	v2 =	vmin.u32 v2, v6;
	vm13 =	vlt.s32 v1, $0x1;
	v0 =	vnsel vm0, $0x1, v0  }
0x2a: {  	v3 =	vmin.u32 v3, v28;
	vm14 =	vlt.s32 v2, $0x1;
	v1 =	vnsel vm13, $0x1, v1;
	[tilespmem:$0x3400] =	vst v0  }
0x2b: {  	v31 =	vmin.u32 v5, v29;
	vm15 =	vlt.s32 v3, $0x1;
	v30 =	vnsel vm14, $0x1, v2;
	[tilespmem:$0x3410] =	vst v1  }
0x2c: {  	v35 =	vmin.u32 v27, v33;
	vm4 =	vlt.s32 v31, $0x1;
	v32 =	vnsel vm15, $0x1, v3;
	[tilespmem:$0x3420] =	vst v30  }
0x2d: {  	v37 =	vmin.u32 v7, v36;
	vm5 =	vlt.s32 v35, $0x1;
	v34 =	vnsel vm4, $0x1, v31;
	[tilespmem:$0x3430] =	vst v32  }
0x2e: {  	v40 =	vmin.u32 v8, v38;
	vm6 =	vlt.s32 v37, $0x1;
	v39 =	vnsel vm5, $0x1, v35;
	[tilespmem:$0x3440] =	vst v34  }
0x2f: {  	vm7 =	vlt.s32 v40, $0x1;
	v41 =	vnsel vm6, $0x1, v37;
	[tilespmem:$0x3450] =	vst v39  }
0x30: {  	v42 =	vnsel vm7, $0x1, v40;
	[tilespmem:$0x3460] =	vst v41  }
0x31: {  	[tilespmem:$0x3470] =	vst v42  }
0x32: {  	_ =	swait.ge [sflag:s0], $0x4000  }
0x33: {  	[sflag:s0] =	ssyncset.done $0x0  }
0x34: {  	s14 =	simm.s32 $0xC;
	s4 =	rddreg [dreg:$0x7];
	[sflag:s0] =	ssyncadd.s32 $0xFFFFC000  }
0x35: {  	[hbm4b:s4+s3] =	stream.linear.scatter [tilespmem:s21], [sflag:$0x7], $0x4000, $0x38;
	[tilespmem:$0x1B800] =	vst v63  }
0x36: {  	_ =	swait.ge [sflag:s14], $0x4000  }
0x37: {  	[sflag:s14] =	ssyncset.done $0x0  }
0x38: {  	[sflag:s14] =	ssyncadd.s32 $0xFFFFC000  }
0x39: {  	v43 =	vld [tilespmem:$0x1880]  }
0x3a: {  	v44 =	vld [tilespmem:$0x1890]  }
0x3b: {  	v45 =	vld [tilespmem:$0x18A0]  }
0x3c: {  	v46 =	vld [tilespmem:$0x18B0]  }
0x3d: {  	v48 =	vld [tilespmem:$0x18C0]  }
0x3e: {  	v50 =	vld [tilespmem:$0x18D0]  }
0x3f: {  	v52 =	vld [tilespmem:$0x18E0]  }
0x40: {  	v54 =	vld [tilespmem:$0x18F0];
	_ =	sdelay $0x1  }
0x41: {  	v47 =	vsub.s32 $0x0, v43;
	v49 =	vsub.s32 $0x0, v44  }
0x42: {  	v51 =	vsub.s32 $0x0, v45;
	v53 =	vsub.s32 $0x0, v46;
	v55 =	vsub.s32 $0x0, v48  }
0x43: {  	v58 =	vsub.s32 $0x0, v50;
	v60 =	vsub.s32 $0x0, v52;
	v0 =	vmin.u32 v43, v47  }
0x44: {  	v62 =	vsub.s32 $0x0, v54;
	v1 =	vmin.u32 v44, v49;
	vm8 =	vlt.s32 v0, $0x1  }
0x45: {  	v2 =	vmin.u32 v45, v51;
	vm9 =	vlt.s32 v1, $0x1;
	v0 =	vnsel vm8, $0x1, v0  }
0x46: {  	v3 =	vmin.u32 v46, v53;
	vm10 =	vlt.s32 v2, $0x1;
	v1 =	vnsel vm9, $0x1, v1;
	[tilespmem:$0x3480] =	vst v0  }
0x47: {  	v56 =	vmin.u32 v48, v55;
	vm11 =	vlt.s32 v3, $0x1;
	v2 =	vnsel vm10, $0x1, v2;
	[tilespmem:$0x3490] =	vst v1  }
0x48: {  	v59 =	vmin.u32 v50, v58;
	vm12 =	vlt.s32 v56, $0x1;
	v57 =	vnsel vm11, $0x1, v3;
	[tilespmem:$0x34A0] =	vst v2  }
0x49: {  	v61 =	vmin.u32 v52, v60;
	vm13 =	vlt.s32 v59, $0x1;
	v0 =	vnsel vm12, $0x1, v56;
	[tilespmem:$0x34B0] =	vst v57  }
0x4a: {  	v63 =	vmin.u32 v54, v62;
	vm14 =	vlt.s32 v61, $0x1;
	v2 =	vnsel vm13, $0x1, v59;
	[tilespmem:$0x34C0] =	vst v0  }
0x4b: {  	vm15 =	vlt.s32 v63, $0x1;
	v1 =	vnsel vm14, $0x1, v61;
	[tilespmem:$0x34D0] =	vst v2  }
0x4c: {  	[tilespmem:$0x34E0] =	vst v1;
	v0 =	vnsel vm15, $0x1, v63  }
0x4d: {  	[tilespmem:$0x34F0] =	vst v0  }
0x4e: {  	_ =	swait.ge [sflag:s2], $0x4000  }
0x4f: {  	[sflag:s2] =	ssyncset.done $0x0  }
0x50: {  	s15 =	rddreg [dreg:$0x8];
	[sflag:s2] =	ssyncadd.s32 $0xFFFFC000  }
0x51: {  	[hbm4b:s15+s3] =	stream.linear.scatter [tilespmem:s22], [sflag:$0x8], $0x4000, $0x38;
	[tilespmem:$0x1B800] =	vst v63  }
0x52: {  	_ =	swait.ge [sflag:s18], $0x4000  }
0x53: {  	s6 =	simm.s32 $0x400;
	s8 =	simm.s32 $0x8000;
	[sflag:s18] =	ssyncset.done $0x0  }
0x54: {  	s10 =	simm.s32 $0x1C00;
	s16 =	rddreg [dreg:$0x9];
	[sflag:s18] =	ssyncadd.s32 $0xFFFFC000  }
0x55: {  	[hbm4b:s16+s6] =	stream.strided.scatter [tilespmem:s10], [sflag:$0xD], $0x1800, s8, s6, $0x38;
	[tilespmem:$0x1B800] =	vst v63  }
0x56: {  	s17 =	simm.s32 $0x3400;
	s4 =	sadd.s32 $0x6000, s16;
	s10 =	simm.s32 $0xD  }
0x57: {  	[hbm4b:s4+s3] =	stream.linear.scatter [tilespmem:s17], [sflag:$0xD], $0x100, $0x38;
	[tilespmem:$0x1B800] =	vst v63  }
0x58: {  	_ =	swait.ge [sflag:s10], $0x1900  }
0x59: {  	[sflag:s10] =	ssyncset.done $0x0  }
0x5a: {  	[sflag:s10] =	ssyncadd.s32 $0xFFFFE700  }
0x5b: {  	_ =	swait.ge [sflag:s25], $0x4000  }
0x5c: {  	s9 =	sadd.s32 $0x1, s9;
	s19 =	rddreg [dreg:$0xa]  }
0x5d: {  	p0 =	sne.s32 s9, s19  }
.Ltmp1:
0x5e: {  	_ = 	snop;
	(pc) =	sbr.rel @!p0 .LBB2_5-.Ltmp1, $3  }
0x5f: {  	_ =	sdelay $0x1  }
0x60: {  	[sflag:s25] =	ssyncset.done $0x0  }
0x61: {  	[sflag:s25] =	ssyncadd.s32 $0xFFFFC000  }
.LBB2_1:
0x62: {  	s4 =	rddreg [dreg:$0x5]  }
0x63: {  	[tilespmem:s3], [sflag:$0xD] =	stream.strided.gather [hbm4b:s4+s6], $0x1800, s8, s6, $0x38;
	[tilespmem:$0x1B800] =	vst v63  }
0x64: {  	s13 =	rddreg [dreg:$0x6];
	s14 =	simm.s32 $0x1800  }
0x65: {  	[tilespmem:s14], [sflag:$0xD] =	stream.linear.gather [hbm4b:s13+s3], $0x100, $0x38;
	[tilespmem:$0x1B800] =	vst v63  }
0x66: {  	_ =	swait.ge [sflag:s10], $0x1900  }
0x67: {  	[sflag:s10] =	ssyncset.done $0x0  }
0x68: {  	s14 =	rddreg [dreg:$0xf];
	[sflag:s10] =	ssyncadd.s32 $0xFFFFE700  }
0x69: {  	[tilespmem:s21], [sflag:$0x1] =	stream.indirect.gather [hbm4b:s1+s20], $0x80, s3, s20, $0xb8;
	[tilespmem:$0x1B800] =	vst v63  }
0x6a: {  	s13 =	rddreg [dreg:$0xe]  }
0x6b: {  	[tilespmem:s22], [sflag:$0x2] =	stream.indirect.gather [hbm4b:s1+s20], $0x80, s20, s20, $0xb8;
	[tilespmem:$0x1B800] =	vst v63  }
0x6c: {  	s15 =	simm.s32 $0x100;
	s12 =	rddreg [dreg:$0xd]  }
0x6d: {  	[tilespmem:s24], [sflag:$0x3] =	stream.indirect.gather [hbm4b:s1+s20], $0x80, s15, s20, $0xb8;
	[tilespmem:$0x1B800] =	vst v63  }
0x6e: {  	s16 =	simm.s32 $0x180;
	s11 =	rddreg [dreg:$0xc]  }
0x6f: {  	[tilespmem:s26], [sflag:$0x4] =	stream.indirect.gather [hbm4b:s1+s20], $0x80, s16, s20, $0xb8;
	[tilespmem:$0x1B800] =	vst v63  }
0x70: {  	s17 =	simm.s32 $0x200;
	s10 =	rddreg [dreg:$0xb]  }
0x71: {  	[tilespmem:s29], [sflag:$0x5] =	stream.indirect.gather [hbm4b:s1+s20], $0x80, s17, s20, $0xb8;
	[tilespmem:$0x1B800] =	vst v63  }
0x72: {  	s19 =	simm.s32 $0x280;
	s15 =	rddreg [dreg:$0x10];
	s17 =	simm.s32 $0x0  }
0x73: {  	[tilespmem:s31], [sflag:$0x6] =	stream.indirect.gather [hbm4b:s1+s20], $0x80, s19, s20, $0xb8;
	[tilespmem:$0x1B800] =	vst v63  }
.LBB2_2:
0x74: {  	s16 =	sshra.s32 s17, $0x2  }
0x75: {  	v0 =	vld [tilespmem:s16+$0x0]  }
0x76: {  	v1 =	vld [tilespmem:s16+$0x10]  }
0x77: {  	v2 =	vld [tilespmem:s16+$0x20]  }
0x78: {  	v3 =	vld [tilespmem:s16+$0x30]  }
0x79: {  	v5 =	vld [tilespmem:s16+$0x40]  }
0x7a: {  	v34 =	vld [tilespmem:s16+$0x50]  }
0x7b: {  	v7 =	vld [tilespmem:s16+$0x60]  }
0x7c: {  	v8 =	vld [tilespmem:s16+$0x70];
	_ =	sdelay $0x1  }
0x7d: {  	v4 =	vsub.s32 $0x0, v0;
	v33 =	vsub.s32 $0x0, v1  }
0x7e: {  	v6 =	vsub.s32 $0x0, v2;
	v35 =	vsub.s32 $0x0, v3;
	v36 =	vsub.s32 $0x0, v5  }
0x7f: {  	v40 =	vsub.s32 $0x0, v34;
	v43 =	vsub.s32 $0x0, v7;
	v0 =	vmin.u32 v0, v4  }
0x80: {  	v45 =	vsub.s32 $0x0, v8;
	v1 =	vmin.u32 v1, v33;
	vm0 =	vlt.s32 v0, $0x1  }
0x81: {  	v2 =	vmin.u32 v2, v6;
	vm5 =	vlt.s32 v1, $0x1;
	v0 =	vnsel vm0, $0x1, v0  }
0x82: {  	v3 =	vmin.u32 v3, v35;
	vm6 =	vlt.s32 v2, $0x1;
	v1 =	vnsel vm5, $0x1, v1;
	[tilespmem:s16+$0x1C00] =	vst v0  }
0x83: {  	v38 =	vmin.u32 v5, v36;
	vm7 =	vlt.s32 v3, $0x1;
	v37 =	vnsel vm6, $0x1, v2;
	[tilespmem:s16+$0x1C10] =	vst v1  }
0x84: {  	v42 =	vmin.u32 v34, v40;
	vm8 =	vlt.s32 v38, $0x1;
	v39 =	vnsel vm7, $0x1, v3;
	[tilespmem:s16+$0x1C20] =	vst v37  }
0x85: {  	v44 =	vmin.u32 v7, v43;
	vm9 =	vlt.s32 v42, $0x1;
	v41 =	vnsel vm8, $0x1, v38;
	[tilespmem:s16+$0x1C30] =	vst v39  }
0x86: {  	v47 =	vmin.u32 v8, v45;
	vm10 =	vlt.s32 v44, $0x1;
	v46 =	vnsel vm9, $0x1, v42;
	[tilespmem:s16+$0x1C40] =	vst v41  }
0x87: {  	vm11 =	vlt.s32 v47, $0x1;
	v48 =	vnsel vm10, $0x1, v44;
	[tilespmem:s16+$0x1C50] =	vst v46  }
0x88: {  	v49 =	vnsel vm11, $0x1, v47;
	[tilespmem:s16+$0x1C60] =	vst v48  }
0x89: {  	[tilespmem:s16+$0x1C70] =	vst v49  }
0x8a: {  	_ =	swait.ge [sflag:s0], $0x4000  }
0x8b: {  	p0 =	seq.s32 s17, $0x0;
	[sflag:s0] =	ssyncset.done $0x0  }
0x8c: {  	s4 =	simm.s32 @!p0 $0xC;
	[sflag:s0] =	ssyncadd.s32 $0xFFFFC000  }
0x8d: {  	[hbm4b:s10+s3] =	stream.linear.scatter [tilespmem:s21], [sflag:$0x7], $0x4000, $0x38;
	[tilespmem:$0x1B800] =	vst v63  }
0x8e: {  	_ =	swait.ge @!p0 [sflag:s4], $0x4000  }
0x8f: {  	[sflag:s4] =	ssyncset.done @!p0 $0x0  }
0x90: {  	[sflag:s4] =	ssyncadd.s32 @!p0 $0xFFFFC000;
	s4 =	sshra.s32 @!p0 s17, $0x2  }
0x91: {  	s6 =	simm.s32 @!p0 $0x80;
	s8 =	simm.s32 @!p0 $0x17800;
	s4 =	sadd.s32 @!p0 $0x280, s4  }
0x92: {  	[tilespmem:s8], [sflag:$0x6] =	stream.indirect.gather @!p0 [hbm4b:s1+s6], $0x80, s4, s6, $0xb8;
	[tilespmem:$0x1B800] =	vst v63  }
0x93: {  	v50 =	vld [tilespmem:s16+$0x80]  }
0x94: {  	v51 =	vld [tilespmem:s16+$0x90]  }
0x95: {  	v52 =	vld [tilespmem:s16+$0xA0]  }
0x96: {  	v53 =	vld [tilespmem:s16+$0xB0]  }
0x97: {  	v55 =	vld [tilespmem:s16+$0xC0]  }
0x98: {  	v57 =	vld [tilespmem:s16+$0xD0]  }
0x99: {  	v59 =	vld [tilespmem:s16+$0xE0]  }
0x9a: {  	v61 =	vld [tilespmem:s16+$0xF0];
	_ =	sdelay $0x1  }
0x9b: {  	v54 =	vsub.s32 $0x0, v50;
	v56 =	vsub.s32 $0x0, v51  }
0x9c: {  	v58 =	vsub.s32 $0x0, v52;
	v60 =	vsub.s32 $0x0, v53;
	v62 =	vsub.s32 $0x0, v55  }
0x9d: {  	v11 =	vsub.s32 $0x0, v57;
	v14 =	vsub.s32 $0x0, v59;
	v0 =	vmin.u32 v50, v54  }
0x9e: {  	v16 =	vsub.s32 $0x0, v61;
	v1 =	vmin.u32 v51, v56;
	vm12 =	vlt.s32 v0, $0x1  }
0x9f: {  	v2 =	vmin.u32 v52, v58;
	vm13 =	vlt.s32 v1, $0x1;
	v0 =	vnsel vm12, $0x1, v0  }
0xa0: {  	v3 =	vmin.u32 v53, v60;
	vm14 =	vlt.s32 v2, $0x1;
	v1 =	vnsel vm13, $0x1, v1;
	[tilespmem:s16+$0x1C80] =	vst v0  }
0xa1: {  	v9 =	vmin.u32 v55, v62;
	vm15 =	vlt.s32 v3, $0x1;
	v63 =	vnsel vm14, $0x1, v2;
	[tilespmem:s16+$0x1C90] =	vst v1  }
0xa2: {  	v13 =	vmin.u32 v57, v11;
	vm4 =	vlt.s32 v9, $0x1;
	v10 =	vnsel vm15, $0x1, v3;
	[tilespmem:s16+$0x1CA0] =	vst v63  }
0xa3: {  	v15 =	vmin.u32 v59, v14;
	vm5 =	vlt.s32 v13, $0x1;
	v12 =	vnsel vm4, $0x1, v9;
	[tilespmem:s16+$0x1CB0] =	vst v10  }
0xa4: {  	v18 =	vmin.u32 v61, v16;
	vm6 =	vlt.s32 v15, $0x1;
	v17 =	vnsel vm5, $0x1, v13;
	[tilespmem:s16+$0x1CC0] =	vst v12  }
0xa5: {  	vm7 =	vlt.s32 v18, $0x1;
	v19 =	vnsel vm6, $0x1, v15;
	[tilespmem:s16+$0x1CD0] =	vst v17  }
0xa6: {  	v20 =	vnsel vm7, $0x1, v18;
	[tilespmem:s16+$0x1CE0] =	vst v19  }
0xa7: {  	[tilespmem:s16+$0x1CF0] =	vst v20  }
0xa8: {  	_ =	swait.ge [sflag:s2], $0x4000  }
0xa9: {  	[sflag:s2] =	ssyncset.done $0x0  }
0xaa: {  	[sflag:s2] =	ssyncadd.s32 $0xFFFFC000  }
0xab: {  	[hbm4b:s15+s3] =	stream.linear.scatter [tilespmem:s22], [sflag:$0x8], $0x4000, $0x38;
	[tilespmem:$0x1B800] =	vst v63  }
0xac: {  	_ =	swait.ge [sflag:s18], $0x4000  }
0xad: {  	[sflag:s18] =	ssyncset.done $0x0  }
0xae: {  	s8 =	sadd.s32 $0x300, s16;
	[sflag:s18] =	ssyncadd.s32 $0xFFFFC000  }
0xaf: {  	[tilespmem:s21], [sflag:$0x1] =	stream.indirect.gather [hbm4b:s1+s20], $0x80, s8, s20, $0xb8;
	[tilespmem:$0x1B800] =	vst v63  }
0xb0: {  	v21 =	vld [tilespmem:s16+$0x100]  }
0xb1: {  	v22 =	vld [tilespmem:s16+$0x110]  }
0xb2: {  	v23 =	vld [tilespmem:s16+$0x120]  }
0xb3: {  	v24 =	vld [tilespmem:s16+$0x130]  }
0xb4: {  	v26 =	vld [tilespmem:s16+$0x140]  }
0xb5: {  	v28 =	vld [tilespmem:s16+$0x150]  }
0xb6: {  	v30 =	vld [tilespmem:s16+$0x160]  }
0xb7: {  	v32 =	vld [tilespmem:s16+$0x170];
	_ =	sdelay $0x1  }
0xb8: {  	v25 =	vsub.s32 $0x0, v21;
	v27 =	vsub.s32 $0x0, v22  }
0xb9: {  	v29 =	vsub.s32 $0x0, v23;
	v31 =	vsub.s32 $0x0, v24;
	v33 =	vsub.s32 $0x0, v26  }
0xba: {  	v37 =	vsub.s32 $0x0, v28;
	v40 =	vsub.s32 $0x0, v30;
	v0 =	vmin.u32 v21, v25  }
0xbb: {  	v42 =	vsub.s32 $0x0, v32;
	v1 =	vmin.u32 v22, v27;
	vm8 =	vlt.s32 v0, $0x1  }
0xbc: {  	v2 =	vmin.u32 v23, v29;
	vm9 =	vlt.s32 v1, $0x1;
	v0 =	vnsel vm8, $0x1, v0  }
0xbd: {  	v3 =	vmin.u32 v24, v31;
	vm10 =	vlt.s32 v2, $0x1;
	v1 =	vnsel vm9, $0x1, v1;
	[tilespmem:s16+$0x1D00] =	vst v0  }
0xbe: {  	v35 =	vmin.u32 v26, v33;
	vm11 =	vlt.s32 v3, $0x1;
	v34 =	vnsel vm10, $0x1, v2;
	[tilespmem:s16+$0x1D10] =	vst v1  }
0xbf: {  	v39 =	vmin.u32 v28, v37;
	vm12 =	vlt.s32 v35, $0x1;
	v36 =	vnsel vm11, $0x1, v3;
	[tilespmem:s16+$0x1D20] =	vst v34  }
0xc0: {  	v41 =	vmin.u32 v30, v40;
	vm13 =	vlt.s32 v39, $0x1;
	v38 =	vnsel vm12, $0x1, v35;
	[tilespmem:s16+$0x1D30] =	vst v36  }
0xc1: {  	v44 =	vmin.u32 v32, v42;
	vm14 =	vlt.s32 v41, $0x1;
	v43 =	vnsel vm13, $0x1, v39;
	[tilespmem:s16+$0x1D40] =	vst v38  }
0xc2: {  	vm15 =	vlt.s32 v44, $0x1;
	v45 =	vnsel vm14, $0x1, v41;
	[tilespmem:s16+$0x1D50] =	vst v43  }
0xc3: {  	v46 =	vnsel vm15, $0x1, v44;
	[tilespmem:s16+$0x1D60] =	vst v45  }
0xc4: {  	[tilespmem:s16+$0x1D70] =	vst v46  }
0xc5: {  	_ =	swait.ge [sflag:s23], $0x4000  }
0xc6: {  	[sflag:s23] =	ssyncset.done $0x0  }
0xc7: {  	[sflag:s23] =	ssyncadd.s32 $0xFFFFC000  }
0xc8: {  	[hbm4b:s12+s3] =	stream.linear.scatter [tilespmem:s24], [sflag:$0x9], $0x4000, $0x38;
	[tilespmem:$0x1B800] =	vst v63  }
0xc9: {  	_ =	swait.ge [sflag:s25], $0x4000  }
0xca: {  	[sflag:s25] =	ssyncset.done $0x0  }
0xcb: {  	s19 =	sadd.s32 $0x380, s16;
	[sflag:s25] =	ssyncadd.s32 $0xFFFFC000  }
0xcc: {  	[tilespmem:s22], [sflag:$0x2] =	stream.indirect.gather [hbm4b:s1+s20], $0x80, s19, s20, $0xb8;
	[tilespmem:$0x1B800] =	vst v63  }
0xcd: {  	v47 =	vld [tilespmem:s16+$0x180]  }
0xce: {  	v48 =	vld [tilespmem:s16+$0x190]  }
0xcf: {  	v49 =	vld [tilespmem:s16+$0x1A0]  }
0xd0: {  	v50 =	vld [tilespmem:s16+$0x1B0]  }
0xd1: {  	v52 =	vld [tilespmem:s16+$0x1C0]  }
0xd2: {  	v54 =	vld [tilespmem:s16+$0x1D0]  }
0xd3: {  	v56 =	vld [tilespmem:s16+$0x1E0]  }
0xd4: {  	v58 =	vld [tilespmem:s16+$0x1F0];
	_ =	sdelay $0x1  }
0xd5: {  	v51 =	vsub.s32 $0x0, v47;
	v53 =	vsub.s32 $0x0, v48  }
0xd6: {  	v55 =	vsub.s32 $0x0, v49;
	v57 =	vsub.s32 $0x0, v50;
	v59 =	vsub.s32 $0x0, v52  }
0xd7: {  	v63 =	vsub.s32 $0x0, v54;
	v10 =	vsub.s32 $0x0, v56;
	v0 =	vmin.u32 v47, v51  }
0xd8: {  	v12 =	vsub.s32 $0x0, v58;
	v1 =	vmin.u32 v48, v53;
	vm4 =	vlt.s32 v0, $0x1  }
0xd9: {  	v2 =	vmin.u32 v49, v55;
	vm5 =	vlt.s32 v1, $0x1;
	v0 =	vnsel vm4, $0x1, v0  }
0xda: {  	v3 =	vmin.u32 v50, v57;
	vm6 =	vlt.s32 v2, $0x1;
	v1 =	vnsel vm5, $0x1, v1;
	[tilespmem:s16+$0x1D80] =	vst v0  }
0xdb: {  	v61 =	vmin.u32 v52, v59;
	vm7 =	vlt.s32 v3, $0x1;
	v60 =	vnsel vm6, $0x1, v2;
	[tilespmem:s16+$0x1D90] =	vst v1  }
0xdc: {  	v9 =	vmin.u32 v54, v63;
	vm8 =	vlt.s32 v61, $0x1;
	v62 =	vnsel vm7, $0x1, v3;
	[tilespmem:s16+$0x1DA0] =	vst v60  }
0xdd: {  	v11 =	vmin.u32 v56, v10;
	vm9 =	vlt.s32 v9, $0x1;
	v6 =	vnsel vm8, $0x1, v61;
	[tilespmem:s16+$0x1DB0] =	vst v62  }
0xde: {  	v14 =	vmin.u32 v58, v12;
	vm10 =	vlt.s32 v11, $0x1;
	v13 =	vnsel vm9, $0x1, v9;
	[tilespmem:s16+$0x1DC0] =	vst v6  }
0xdf: {  	vm11 =	vlt.s32 v14, $0x1;
	v15 =	vnsel vm10, $0x1, v11;
	[tilespmem:s16+$0x1DD0] =	vst v13  }
0xe0: {  	v16 =	vnsel vm11, $0x1, v14;
	[tilespmem:s16+$0x1DE0] =	vst v15  }
0xe1: {  	[tilespmem:s16+$0x1DF0] =	vst v16  }
0xe2: {  	_ =	swait.ge [sflag:s28], $0x4000  }
0xe3: {  	p0 =	seq.s32 s17, $0x5400;
	[sflag:s28] =	ssyncset.done $0x0  }
0xe4: {  	s4 =	simm.s32 @!p0 $0x9;
	[sflag:s28] =	ssyncadd.s32 $0xFFFFC000  }
0xe5: {  	[hbm4b:s13+s3] =	stream.linear.scatter [tilespmem:s26], [sflag:$0xA], $0x4000, $0x38;
	[tilespmem:$0x1B800] =	vst v63  }
0xe6: {  	_ =	swait.ge @!p0 [sflag:s4], $0x4000  }
0xe7: {  	[sflag:s4] =	ssyncset.done @!p0 $0x0  }
0xe8: {  	[sflag:s4] =	ssyncadd.s32 @!p0 $0xFFFFC000;
	s4 =	sshra.s32 @!p0 s17, $0x2  }
0xe9: {  	s8 =	simm.s32 @!p0 $0x80;
	s19 =	simm.s32 @!p0 $0xB800;
	s6 =	sadd.s32 @!p0 $0x400, s4  }
0xea: {  	[tilespmem:s19], [sflag:$0x3] =	stream.indirect.gather @!p0 [hbm4b:s1+s8], $0x80, s6, s8, $0xb8;
	[tilespmem:$0x1B800] =	vst v63  }
0xeb: {  	v17 =	vld [tilespmem:s16+$0x200]  }
0xec: {  	v18 =	vld [tilespmem:s16+$0x210]  }
0xed: {  	v19 =	vld [tilespmem:s16+$0x220]  }
0xee: {  	v20 =	vld [tilespmem:s16+$0x230]  }
0xef: {  	v22 =	vld [tilespmem:s16+$0x240]  }
0xf0: {  	v24 =	vld [tilespmem:s16+$0x250]  }
0xf1: {  	v26 =	vld [tilespmem:s16+$0x260]  }
0xf2: {  	v28 =	vld [tilespmem:s16+$0x270];
	_ =	sdelay $0x1  }
0xf3: {  	v21 =	vsub.s32 $0x0, v17;
	v23 =	vsub.s32 $0x0, v18  }
0xf4: {  	v25 =	vsub.s32 $0x0, v19;
	v27 =	vsub.s32 $0x0, v20;
	v29 =	vsub.s32 $0x0, v22  }
0xf5: {  	v33 =	vsub.s32 $0x0, v24;
	v36 =	vsub.s32 $0x0, v26;
	v0 =	vmin.u32 v17, v21  }
0xf6: {  	v38 =	vsub.s32 $0x0, v28;
	v1 =	vmin.u32 v18, v23;
	vm12 =	vlt.s32 v0, $0x1  }
0xf7: {  	v2 =	vmin.u32 v19, v25;
	vm13 =	vlt.s32 v1, $0x1;
	v0 =	vnsel vm12, $0x1, v0  }
0xf8: {  	v3 =	vmin.u32 v20, v27;
	vm14 =	vlt.s32 v2, $0x1;
	v1 =	vnsel vm13, $0x1, v1;
	[tilespmem:s16+$0x1E00] =	vst v0  }
0xf9: {  	v31 =	vmin.u32 v22, v29;
	vm15 =	vlt.s32 v3, $0x1;
	v30 =	vnsel vm14, $0x1, v2;
	[tilespmem:s16+$0x1E10] =	vst v1  }
0xfa: {  	v35 =	vmin.u32 v24, v33;
	vm4 =	vlt.s32 v31, $0x1;
	v32 =	vnsel vm15, $0x1, v3;
	[tilespmem:s16+$0x1E20] =	vst v30  }
0xfb: {  	v37 =	vmin.u32 v26, v36;
	vm5 =	vlt.s32 v35, $0x1;
	v34 =	vnsel vm4, $0x1, v31;
	[tilespmem:s16+$0x1E30] =	vst v32  }
0xfc: {  	v40 =	vmin.u32 v28, v38;
	vm6 =	vlt.s32 v37, $0x1;
	v39 =	vnsel vm5, $0x1, v35;
	[tilespmem:s16+$0x1E40] =	vst v34  }
0xfd: {  	vm7 =	vlt.s32 v40, $0x1;
	v41 =	vnsel vm6, $0x1, v37;
	[tilespmem:s16+$0x1E50] =	vst v39  }
0xfe: {  	v42 =	vnsel vm7, $0x1, v40;
	[tilespmem:s16+$0x1E60] =	vst v41  }
0xff: {  	[tilespmem:s16+$0x1E70] =	vst v42  }
0x100: {  	_ =	swait.ge [sflag:s30], $0x4000  }
0x101: {  	[sflag:s30] =	ssyncset.done $0x0  }
0x102: {  	s6 =	simm.s32 @!p0 $0xA;
	[sflag:s30] =	ssyncadd.s32 $0xFFFFC000  }
0x103: {  	[hbm4b:s14+s3] =	stream.linear.scatter [tilespmem:s29], [sflag:$0xB], $0x4000, $0x38;
	[tilespmem:$0x1B800] =	vst v63  }
0x104: {  	_ =	swait.ge @!p0 [sflag:s6], $0x4000  }
0x105: {  	[sflag:s6] =	ssyncset.done @!p0 $0x0  }
0x106: {  	s4 =	sadd.s32 @!p0 $0x480, s4;
	[sflag:s6] =	ssyncadd.s32 @!p0 $0xFFFFC000;
	s6 =	simm.s32 @!p0 $0xF800  }
0x107: {  	[tilespmem:s6], [sflag:$0x4] =	stream.indirect.gather @!p0 [hbm4b:s1+s8], $0x80, s4, s8, $0xb8;
	[tilespmem:$0x1B800] =	vst v63  }
0x108: {  	v43 =	vld [tilespmem:s16+$0x280]  }
0x109: {  	v44 =	vld [tilespmem:s16+$0x290]  }
0x10a: {  	v45 =	vld [tilespmem:s16+$0x2A0]  }
0x10b: {  	v46 =	vld [tilespmem:s16+$0x2B0]  }
0x10c: {  	v48 =	vld [tilespmem:s16+$0x2C0]  }
0x10d: {  	v50 =	vld [tilespmem:s16+$0x2D0]  }
0x10e: {  	v52 =	vld [tilespmem:s16+$0x2E0]  }
0x10f: {  	v54 =	vld [tilespmem:s16+$0x2F0];
	_ =	sdelay $0x1  }
0x110: {  	v47 =	vsub.s32 $0x0, v43;
	v49 =	vsub.s32 $0x0, v44  }
0x111: {  	v51 =	vsub.s32 $0x0, v45;
	v53 =	vsub.s32 $0x0, v46;
	v55 =	vsub.s32 $0x0, v48  }
0x112: {  	v58 =	vsub.s32 $0x0, v50;
	v60 =	vsub.s32 $0x0, v52;
	v0 =	vmin.u32 v43, v47  }
0x113: {  	v62 =	vsub.s32 $0x0, v54;
	v1 =	vmin.u32 v44, v49;
	vm8 =	vlt.s32 v0, $0x1  }
0x114: {  	v2 =	vmin.u32 v45, v51;
	vm9 =	vlt.s32 v1, $0x1;
	v0 =	vnsel vm8, $0x1, v0  }
0x115: {  	v3 =	vmin.u32 v46, v53;
	vm10 =	vlt.s32 v2, $0x1;
	v1 =	vnsel vm9, $0x1, v1;
	[tilespmem:s16+$0x1E80] =	vst v0  }
0x116: {  	v56 =	vmin.u32 v48, v55;
	vm11 =	vlt.s32 v3, $0x1;
	v2 =	vnsel vm10, $0x1, v2;
	[tilespmem:s16+$0x1E90] =	vst v1  }
0x117: {  	v59 =	vmin.u32 v50, v58;
	vm12 =	vlt.s32 v56, $0x1;
	v57 =	vnsel vm11, $0x1, v3;
	[tilespmem:s16+$0x1EA0] =	vst v2  }
0x118: {  	v61 =	vmin.u32 v52, v60;
	vm13 =	vlt.s32 v59, $0x1;
	v0 =	vnsel vm12, $0x1, v56;
	[tilespmem:s16+$0x1EB0] =	vst v57  }
0x119: {  	v63 =	vmin.u32 v54, v62;
	vm14 =	vlt.s32 v61, $0x1;
	v2 =	vnsel vm13, $0x1, v59;
	[tilespmem:s16+$0x1EC0] =	vst v0  }
0x11a: {  	vm15 =	vlt.s32 v63, $0x1;
	v1 =	vnsel vm14, $0x1, v61;
	[tilespmem:s16+$0x1ED0] =	vst v2  }
0x11b: {  	[tilespmem:s16+$0x1EE0] =	vst v1;
	v0 =	vnsel vm15, $0x1, v63  }
.Ltmp2:
0x11c: {  	[tilespmem:s16+$0x1EF0] =	vst v0;
	(pc) =	sbr.rel @p0 .LBB2_4-.Ltmp2, $4  }
0x11d: {  	_ =	swait.ge [sflag:s5], $0x4000  }
0x11e: {  	[sflag:s5] =	ssyncset.done $0x0  }
0x11f: {  	[sflag:s5] =	ssyncadd.s32 $0xFFFFC000  }
0x120: {  	[hbm4b:s11+s3] =	stream.linear.scatter [tilespmem:s31], [sflag:$0xC], $0x4000, $0x38;
	[tilespmem:$0x1B800] =	vst v63  }
.Ltmp3:
0x121: {  	_ =	swait.ge [sflag:s7], $0x4000;
	s4 =	sadd.s32 $0x500, s16;
	(pc) =	sbr.rel .LBB2_2-.Ltmp3, $4  }
0x122: {  	s10 =	sadd.s32 $0x60000, s10;
	s17 =	sadd.s32 $0xC00, s17;
	s11 =	sadd.s32 $0x60000, s11  }
0x123: {  	s12 =	sadd.s32 $0x60000, s12;
	s13 =	sadd.s32 $0x60000, s13;
	[sflag:s7] =	ssyncset.done $0x0  }
0x124: {  	s14 =	sadd.s32 $0x60000, s14;
	s15 =	sadd.s32 $0x60000, s15;
	[sflag:s7] =	ssyncadd.s32 $0xFFFFC000  }
0x125: {  	[tilespmem:s29], [sflag:$0x5] =	stream.indirect.gather [hbm4b:s1+s20], $0x80, s4, s20, $0xb8;
	[tilespmem:$0x1B800] =	vst v63  }
.LBB2_5:
0x126: {  	_ =	sfence.sel $0x180000  }
0x127: {  	[bflag:$0x0] =	sbarrier.arrive $0xFFFF  }
0x128: {  	_ =	strace $0x90000047  }
0x129: {  	s0 =	stileid.u32;
	[bflag:$0x2] =	sbarrier.arrive $0xFFFF  }
0x12a: {  	p0 =	sne.s32 s0, $0x0;
	s0 =	rddreg [dreg:$0x4]  }
0x12b: {  	s0 =	sadd.s32 @!p0 $0x100000, s0  }
0x12c: {  	[sflag:s0] =	ssyncadd.tile.s32 @!p0 $0x1;
	_ =	shalt  }
.Lfunc_end2:
_tile_overlayer_lowered:
.L_overlay_start_2:
0x12d: {  	(tag) =	ssettag $0x2  }
0x12e: {  	s0 =	rddreg [dreg:$0x0];
	s2 =	stileid.u32  }
0x12f: {  	s1 =	rddreg [dreg:$0x1];
	p0 =	sne.s32 s2, $0x0  }
0x130: {  	s3 =	rddreg [dreg:$0x2];
	[bflag:$0x3] =	sbarrier.arrive $0xFFFF;
	s2 =	simm.s32 @!p0 $0x1C0D  }
0x131: {  	[timem:s3], [sflag:s2] =	dma.local @!p0 [hbm:s0], s1  }
0x132: {  	s0 =	simm.s32 @!p0 $0xD  }
0x133: {  	_ =	swait.ge @!p0 [sflag:s0], s1  }
0x134: {  	s1 =	ssub.s32 @!p0 $0x0, s1;
	[sflag:s0] =	ssyncset.done @!p0 $0x0  }
0x135: {  	[sflag:s0] =	ssyncadd.s32 @!p0 s1  }
0x136: {  	[bflag:$0x3] =	sbarrier.arrive $0xFFFF  }
0x137: {  	_ =	shalt  }

</sc_bundles>
